<compile_context>
chip_gen: v7x
topology: tpu7x:2x2x1
jax: 0.10.2.dev20260603
libtpu: 0.0.44.dev20260713+nightly
codegen_flags: <defaults>
</compile_context>

<pallas_src>
import functools

import jax
import jax.numpy as jnp
from jax import lax
from jax.experimental import pallas as pl
from jax.experimental.pallas import tpu as pltpu
from jax.experimental.pallas import tpu_sc as plsc

_NC = 2
_NS = 16
_NW = _NC * _NS
_CHUNK = 128
_G = 10


def _sc_gather(tab_s, tab_c, idx_s, idx_c):
    H = tab_s.shape[-1]
    sr_pw = idx_s.shape[1]
    cr_pw = idx_c.shape[1]
    n_s_rows = _NW * sr_pw
    n_c_rows = _NW * cr_pw
    n_groups = cr_pw // _G
    mesh = plsc.VectorSubcoreMesh(core_axis_name="c", subcore_axis_name="s",
                                  num_cores=_NC, num_subcores=_NS)

    @functools.partial(
        pl.kernel,
        out_type=(
            jax.ShapeDtypeStruct((n_s_rows * _CHUNK, H), jnp.float32),
            jax.ShapeDtypeStruct((n_c_rows * _CHUNK, H), jnp.float32),
        ),
        mesh=mesh,
        scratch_types=[
            pltpu.VMEM((sr_pw, _CHUNK), jnp.int32),
            pltpu.VMEM((cr_pw, _CHUNK), jnp.int32),
            pltpu.VMEM((sr_pw * _CHUNK, H), jnp.float32),
            pltpu.VMEM((_G * _CHUNK, H), jnp.float32),
            pltpu.SemaphoreType.DMA,
        ],
        compiler_params=pltpu.CompilerParams(use_tc_tiling_on_sc=False),
    )
    def k(tab_s_hbm, tab_c_hbm, idx_s_hbm, idx_c_hbm, out_s, out_c,
          idx_sv, idx_cv, srow_v, crow_v, sem):
        wid = lax.axis_index("c") * _NS + lax.axis_index("s")
        pltpu.sync_copy(idx_s_hbm.at[wid], idx_sv)
        pltpu.sync_copy(idx_c_hbm.at[wid], idx_cv)

        cps = []
        for j in range(sr_pw):
            cp = pltpu.make_async_copy(
                tab_s_hbm.at[idx_sv.at[j]],
                srow_v.at[pl.ds(j * _CHUNK, _CHUNK)], sem)
            cp.start()
            cps.append(cp)
        for cp in cps:
            cp.wait()
        pltpu.sync_copy(
            srow_v, out_s.at[pl.ds(wid * sr_pw * _CHUNK, sr_pw * _CHUNK)])

        def group(g, _):
            cps = []
            for j in range(_G):
                cp = pltpu.make_async_copy(
                    tab_c_hbm.at[idx_cv.at[g * _G + j]],
                    crow_v.at[pl.ds(j * _CHUNK, _CHUNK)], sem)
                cp.start()
                cps.append(cp)
            for cp in cps:
                cp.wait()
            pltpu.sync_copy(
                crow_v,
                out_c.at[pl.ds((wid * cr_pw + g * _G) * _CHUNK, _G * _CHUNK)])
            return ()

        lax.fori_loop(0, n_groups, group, (), unroll=False)

    return k(tab_s, tab_c, idx_s, idx_c)


def _eye32():
    r = lax.broadcasted_iota(jnp.int32, (32, 32), 0)
    c = lax.broadcasted_iota(jnp.int32, (32, 32), 1)
    return (r == c).astype(jnp.float32)


def _rows_to_hb(x, eye, bq):
    ys = [lax.dot_general(eye, x[:, m * 32:(m + 1) * 32],
                          (((1,), (1,)), ((), ())),
                          preferred_element_type=jnp.float32,
                          precision=lax.Precision.HIGHEST)
          for m in range(4)]
    return jnp.concatenate(ys, axis=1)


def _tc_project_t(kr_t, obs_t, crows_v, rw, rb, ow_t, ob_t, C, H):
    T, K, B = kr_t.shape
    O = obs_t.shape[1]
    F = K + C
    Bq = B // 4

    def body(kr_ref, obs_ref, cat_ref, rw_ref, rb_ref, owt_ref, obt_ref,
             known_ref, obs_out_ref):
        eye = _eye32()
        kr = kr_ref[0]
        known_ref[0, 0:K] = (kr[:, None, :] * rw_ref[...][:, :, None]
                             + rb_ref[...][:, :, None])
        x = cat_ref[0]
        for c in range(C):
            xc = x[c * Bq:(c + 1) * Bq, :]
            known_ref[0, K + c] = _rows_to_hb(xc, eye, Bq)
        ob = obs_ref[0]
        obs_out_ref[0] = (ob[None, :, :] * owt_ref[...][:, :, None]
                          + obt_ref[...][:, :, None])

    rows = lambda i: (i, 0, 0)
    fixed = lambda i: (0, 0)
    return pl.pallas_call(
        body,
        grid=(T,),
        in_specs=[
            pl.BlockSpec((1, K, B), rows),
            pl.BlockSpec((1, O, B), rows),
            pl.BlockSpec((1, crows_v.shape[1], 128), rows),
            pl.BlockSpec(rw.shape, fixed),
            pl.BlockSpec(rb.shape, fixed),
            pl.BlockSpec(ow_t.shape, fixed),
            pl.BlockSpec(ob_t.shape, fixed),
        ],
        out_specs=[
            pl.BlockSpec((1, F, H, B), lambda i: (i, 0, 0, 0)),
            pl.BlockSpec((1, H, O, B), lambda i: (i, 0, 0, 0)),
        ],
        out_shape=[
            jax.ShapeDtypeStruct((T, F, H, B), jnp.float32),
            jax.ShapeDtypeStruct((T, H, O, B), jnp.float32),
        ],
    )(kr_t, obs_t, crows_v, rw, rb, ow_t, ob_t)


def _tc_static_t(srows_v, S, H, B):
    Bq = B // 4

    def body(s_ref, out_ref):
        eye = _eye32()
        out_ref[0] = _rows_to_hb(s_ref[0], eye, Bq)

    return pl.pallas_call(
        body,
        grid=(S,),
        in_specs=[pl.BlockSpec((1, srows_v.shape[1], 128),
                               lambda i: (i, 0, 0))],
        out_specs=pl.BlockSpec((1, H, B), lambda i: (i, 0, 0)),
        out_shape=jax.ShapeDtypeStruct((S, H, B), jnp.float32),
    )(srows_v)


def _permute_quads(a):
    *lead, B = a.shape
    return a.reshape(*lead, 4, B // 4).swapaxes(-1, -2).reshape(*lead, B)


def kernel(static, known_real, known_categorical, observed,
           static_tables, known_cat_tables, real_W, real_b, obs_W, obs_b):
    S, V, H = static_tables.shape
    C = known_cat_tables.shape[0]
    B, T, K = known_real.shape
    O = observed.shape[2]

    kr_t = jnp.transpose(known_real, (1, 2, 0))
    obs_t = jnp.transpose(observed, (1, 2, 0))
    kc_t = jnp.transpose(known_categorical, (1, 2, 0))
    st_t = jnp.transpose(static, (1, 0))

    tab_s = static_tables.reshape(S * V, H)
    tab_c = known_cat_tables.reshape(C * V, H)

    idx_s = (_permute_quads(st_t.astype(jnp.int32))
             + (jnp.arange(S, dtype=jnp.int32) * V)[:, None]
             ).reshape(_NW, -1, _CHUNK)
    idx_c = (_permute_quads(kc_t.astype(jnp.int32))
             + (jnp.arange(C, dtype=jnp.int32) * V)[None, :, None]
             ).reshape(_NW, -1, _CHUNK)

    srows, crows = _sc_gather(tab_s, tab_c, idx_s, idx_c)

    rw = real_W[:, 0, :]
    rb = real_b
    ow_t = obs_W[:, 0, :].T
    ob_t = obs_b.T

    crows_v = crows.reshape(T, C * B * H // 128, 128)
    srows_v = srows.reshape(S, B * H // 128, 128)

    known_t, obs_out = _tc_project_t(kr_t, obs_t, crows_v, rw, rb, ow_t, ob_t,
                                     C, H)
    static_t = _tc_static_t(srows_v, S, H, B)

    return (jnp.transpose(static_t, (2, 0, 1)),
            jnp.transpose(known_t, (3, 0, 2, 1)),
            jnp.transpose(obs_out, (3, 0, 1, 2)))

# --- scband reference (transcript-rebuilt; emitter-appended) ---
"""Pipeline reference for scband-tftinput-embedding-37649683317206 (READ-ONLY COPY).

The authoritative reference and input builder live on the scoring server;
editing this copy changes nothing except your own understanding.
"""

import jax, jax.numpy as jnp
import numpy as np

B = 1024
T = 50
S = 8   # static categorical fields
K = 8   # known real features
C = 4   # known categorical fields
O = 4   # observed real features
H = 32  # hidden_layer_size
V = 100000  # vocab for every categorical field


def setup_inputs(seed: int = 0) -> dict:
    key = jax.random.key(seed)
    ks = jax.random.split(key, 10)
    static = jax.random.randint(ks[0], (B, S), 0, V)
    known_real = jax.random.normal(ks[1], (B, T, K), dtype=jnp.float32)
    known_categorical = jax.random.randint(ks[2], (B, T, C), 0, V)
    observed = jax.random.normal(ks[3], (B, T, O), dtype=jnp.float32)
    # learned params
    static_tables = jax.random.normal(ks[4], (S, V, H), dtype=jnp.float32) * 0.02
    known_cat_tables = jax.random.normal(ks[5], (C, V, H), dtype=jnp.float32) * 0.02
    real_W = jax.random.normal(ks[6], (K, 1, H), dtype=jnp.float32) * 0.1
    real_b = jnp.zeros((K, H), dtype=jnp.float32)
    obs_W = jax.random.normal(ks[7], (O, 1, H), dtype=jnp.float32) * 0.1
    obs_b = jnp.zeros((O, H), dtype=jnp.float32)
    return {
        "static": static,
        "known_real": known_real,
        "known_categorical": known_categorical,
        "observed": observed,
        "static_tables": static_tables,
        "known_cat_tables": known_cat_tables,
        "real_W": real_W,
        "real_b": real_b,
        "obs_W": obs_W,
        "obs_b": obs_b,
    }


def reference(static, known_real, known_categorical, observed,
              static_tables, known_cat_tables, real_W, real_b, obs_W, obs_b):
    # --- static categorical embeddings: one table per field ---
    static_embs = []
    for i in range(static_tables.shape[0]):
        static_embs.append(jnp.take(static_tables[i], static[:, i], axis=0))  # [B, H]
    static_emb = jnp.stack(static_embs, axis=1)  # [B, S, H]

    # --- time-distributed Dense(1 -> H) per known real feature ---
    b, t = known_real.shape[0], known_real.shape[1]
    real_embs = []
    for i in range(known_real.shape[-1]):
        x = known_real[..., i, None].reshape(-1, 1)          # [B*T, 1]
        y = x @ real_W[i] + real_b[i]                        # [B*T, H]
        real_embs.append(y.reshape(b, t, -1))                # [B, T, H]

    # --- time-distributed Dense(1 -> H) per observed feature ---
    obs_embs = []
    for i in range(observed.shape[-1]):
        x = observed[..., i, None].reshape(-1, 1)
        y = x @ obs_W[i] + obs_b[i]
        obs_embs.append(y.reshape(b, t, -1))
    observed_emb = jnp.stack(obs_embs, axis=-1)              # [B, T, H, O]

    # --- known categorical embeddings: one table per field ---
    cat_embs = []
    for i in range(known_cat_tables.shape[0]):
        cat_embs.append(jnp.take(known_cat_tables[i], known_categorical[..., i], axis=0))  # [B, T, H]
    known_emb = jnp.concatenate(
        [jnp.stack(real_embs, axis=-1), jnp.stack(cat_embs, axis=-1)], axis=-1
    )  # [B, T, H, K + C]

    return static_emb, known_emb, observed_emb

if __name__ == "__main__":
    import jax
    _d = setup_inputs()
    print(jax.jit(kernel)(*tuple(_d.values())))

</pallas_src>

<mosaic_0001>
#map = affine_map<(d0, d1) -> (0, 0)>
#map1 = affine_map<(d0, d1) -> (0, 0, 0)>
module attributes {stable_mosaic.version = 14 : i64} {
  func.func @k(%arg0: i32, %arg1: i32, %arg2: memref<800000x32xf32, #tpu.memory_space<hbm>>, %arg3: memref<400000x32xf32, #tpu.memory_space<hbm>>, %arg4: memref<32x2x128xi32, #tpu.memory_space<hbm>>, %arg5: memref<32x50x128xi32, #tpu.memory_space<hbm>>, %arg6: memref<8192x32xf32, #tpu.memory_space<hbm>>, %arg7: memref<204800x32xf32, #tpu.memory_space<hbm>>, %arg8: memref<2x128xi32, #tpu.memory_space<vmem>>, %arg9: memref<50x128xi32, #tpu.memory_space<vmem>>, %arg10: memref<256x32xf32, #tpu.memory_space<vmem>>, %arg11: memref<1280x32xf32, #tpu.memory_space<vmem>>, %arg12: memref<!tpu.dma_semaphore, #tpu.memory_space<semaphore_mem>>) attributes {dimension_semantics = [#tpu.dimension_semantics<core_parallel>, #tpu.dimension_semantics<subcore_parallel>], iteration_bounds = array<i64: 2, 16>, scalar_prefetch = 0 : i64, scratch_operands = 5 : i64, tpu.core_type = #tpu.core_type<sc_vector_subcore>, window_params = [{transform_indices = #map}, {transform_indices = #map}, {transform_indices = #map1}, {transform_indices = #map1}, {transform_indices = #map}, {transform_indices = #map}]} {
    %mul3A = arith.constant 16 : i32
    %mul3A_0 = arith.muli %arg0, %mul3A : i32
    %add3A = arith.addi %mul3A_0, %arg1 : i32
    "tpu.region"() ({
      %run_scoped3A = tpu.sem_alloc : memref<!tpu.dma_semaphore, #tpu.memory_space<semaphore_mem>>
      %dma_start3A_47 = arith.constant 0 : i32
      %dma_start3A_48 = arith.constant 0 : i32
      %dma_start3A_49 = tpu.memref_slice %arg4[%add3A, %dma_start3A_47, %dma_start3A_48] : memref<32x2x128xi32, #tpu.memory_space<hbm>> -> memref<1x2x128xi32, #tpu.memory_space<hbm>>
      %dma_start3A_50 = tpu.memref_squeeze %dma_start3A_49 : memref<1x2x128xi32, #tpu.memory_space<hbm>> -> memref<2x128xi32, #tpu.memory_space<hbm>>
      %dma_start3A_51 = arith.constant 0 : i32
      %dma_start3A_52 = arith.constant 0 : i32
      %dma_start3A_53 = tpu.memref_slice %arg4[%add3A, %dma_start3A_51, %dma_start3A_52] : memref<32x2x128xi32, #tpu.memory_space<hbm>> -> memref<1x2x128xi32, #tpu.memory_space<hbm>>
      %dma_start3A_54 = tpu.memref_squeeze %dma_start3A_53 : memref<1x2x128xi32, #tpu.memory_space<hbm>> -> memref<2x128xi32, #tpu.memory_space<hbm>>
      tpu.enqueue_dma source(%dma_start3A_54 : memref<2x128xi32, #tpu.memory_space<hbm>>) target(%arg8 : memref<2x128xi32, #tpu.memory_space<vmem>>) target_semaphore(%run_scoped3A : memref<!tpu.dma_semaphore, #tpu.memory_space<semaphore_mem>>)
      %dma_wait3A_55 = arith.constant 0 : i32
      %dma_wait3A_56 = arith.constant 0 : i32
      %dma_wait3A_57 = tpu.memref_slice %arg4[%add3A, %dma_wait3A_55, %dma_wait3A_56] : memref<32x2x128xi32, #tpu.memory_space<hbm>> -> memref<1x2x128xi32, #tpu.memory_space<hbm>>
      %dma_wait3A_58 = tpu.memref_squeeze %dma_wait3A_57 : memref<1x2x128xi32, #tpu.memory_space<hbm>> -> memref<2x128xi32, #tpu.memory_space<hbm>>
      %dma_wait3A_59 = arith.constant 0 : i32
      %dma_wait3A_60 = arith.constant 0 : i32
      %dma_wait3A_61 = tpu.memref_slice %arg4[%add3A, %dma_wait3A_59, %dma_wait3A_60] : memref<32x2x128xi32, #tpu.memory_space<hbm>> -> memref<1x2x128xi32, #tpu.memory_space<hbm>>
      %dma_wait3A_62 = tpu.memref_squeeze %dma_wait3A_61 : memref<1x2x128xi32, #tpu.memory_space<hbm>> -> memref<2x128xi32, #tpu.memory_space<hbm>>
      tpu.wait_dma2 semaphore(%run_scoped3A : memref<!tpu.dma_semaphore, #tpu.memory_space<semaphore_mem>>) src(%dma_wait3A_62 : memref<2x128xi32, #tpu.memory_space<hbm>>) dst(%arg8 : memref<2x128xi32, #tpu.memory_space<vmem>>)
      tpu.yield
    }) : () -> ()
    "tpu.region"() ({
      %run_scoped3A = tpu.sem_alloc : memref<!tpu.dma_semaphore, #tpu.memory_space<semaphore_mem>>
      %dma_start3A_47 = arith.constant 0 : i32
      %dma_start3A_48 = arith.constant 0 : i32
      %dma_start3A_49 = tpu.memref_slice %arg5[%add3A, %dma_start3A_47, %dma_start3A_48] : memref<32x50x128xi32, #tpu.memory_space<hbm>> -> memref<1x50x128xi32, #tpu.memory_space<hbm>>
      %dma_start3A_50 = tpu.memref_squeeze %dma_start3A_49 : memref<1x50x128xi32, #tpu.memory_space<hbm>> -> memref<50x128xi32, #tpu.memory_space<hbm>>
      %dma_start3A_51 = arith.constant 0 : i32
      %dma_start3A_52 = arith.constant 0 : i32
      %dma_start3A_53 = tpu.memref_slice %arg5[%add3A, %dma_start3A_51, %dma_start3A_52] : memref<32x50x128xi32, #tpu.memory_space<hbm>> -> memref<1x50x128xi32, #tpu.memory_space<hbm>>
      %dma_start3A_54 = tpu.memref_squeeze %dma_start3A_53 : memref<1x50x128xi32, #tpu.memory_space<hbm>> -> memref<50x128xi32, #tpu.memory_space<hbm>>
      tpu.enqueue_dma source(%dma_start3A_54 : memref<50x128xi32, #tpu.memory_space<hbm>>) target(%arg9 : memref<50x128xi32, #tpu.memory_space<vmem>>) target_semaphore(%run_scoped3A : memref<!tpu.dma_semaphore, #tpu.memory_space<semaphore_mem>>)
      %dma_wait3A_55 = arith.constant 0 : i32
      %dma_wait3A_56 = arith.constant 0 : i32
      %dma_wait3A_57 = tpu.memref_slice %arg5[%add3A, %dma_wait3A_55, %dma_wait3A_56] : memref<32x50x128xi32, #tpu.memory_space<hbm>> -> memref<1x50x128xi32, #tpu.memory_space<hbm>>
      %dma_wait3A_58 = tpu.memref_squeeze %dma_wait3A_57 : memref<1x50x128xi32, #tpu.memory_space<hbm>> -> memref<50x128xi32, #tpu.memory_space<hbm>>
      %dma_wait3A_59 = arith.constant 0 : i32
      %dma_wait3A_60 = arith.constant 0 : i32
      %dma_wait3A_61 = tpu.memref_slice %arg5[%add3A, %dma_wait3A_59, %dma_wait3A_60] : memref<32x50x128xi32, #tpu.memory_space<hbm>> -> memref<1x50x128xi32, #tpu.memory_space<hbm>>
      %dma_wait3A_62 = tpu.memref_squeeze %dma_wait3A_61 : memref<1x50x128xi32, #tpu.memory_space<hbm>> -> memref<50x128xi32, #tpu.memory_space<hbm>>
      tpu.wait_dma2 semaphore(%run_scoped3A : memref<!tpu.dma_semaphore, #tpu.memory_space<semaphore_mem>>) src(%dma_wait3A_62 : memref<50x128xi32, #tpu.memory_space<hbm>>) dst(%arg9 : memref<50x128xi32, #tpu.memory_space<vmem>>)
      tpu.yield
    }) : () -> ()
    %dma_start3A = arith.constant 0 : i32
    %dma_start3A_1 = arith.constant 0 : i32
    %dma_start3A_2 = arith.constant 0 : i32
    %dma_start3A_3 = tpu.memref_slice %arg10[%dma_start3A_1, %dma_start3A_2] : memref<256x32xf32, #tpu.memory_space<vmem>> -> memref<128x32xf32, #tpu.memory_space<vmem>>
    %dma_start3A_4 = arith.constant 0 : i32
    %dma_start3A_5 = tpu.memref_slice %arg8[%dma_start3A, %dma_start3A_4] : memref<2x128xi32, #tpu.memory_space<vmem>> -> memref<1x128xi32, #tpu.memory_space<vmem>>
    %dma_start3A_6 = tpu.memref_squeeze %dma_start3A_5 : memref<1x128xi32, #tpu.memory_space<vmem>> -> memref<128xi32, #tpu.memory_space<vmem>>
    %dma_start3A_7 = arith.constant 0 : i32
    %dma_start3A_8 = arith.constant 0 : i32
    %dma_start3A_9 = tpu.memref_slice %arg2[%dma_start3A_7, %dma_start3A_8] : memref<800000x32xf32, #tpu.memory_space<hbm>> -> memref<800000x32xf32, #tpu.memory_space<hbm>>
    tpu.enqueue_indirect_dma source(%dma_start3A_9 : memref<800000x32xf32, #tpu.memory_space<hbm>>) target(%dma_start3A_3 : memref<128x32xf32, #tpu.memory_space<vmem>>) offsets(%dma_start3A_6 : memref<128xi32, #tpu.memory_space<vmem>>) semaphore(%arg12 : memref<!tpu.dma_semaphore, #tpu.memory_space<semaphore_mem>>)
    %dma_start3A_10 = arith.constant 1 : i32
    %dma_start3A_11 = arith.constant 128 : i32
    %dma_start3A_12 = arith.constant 0 : i32
    %dma_start3A_13 = tpu.memref_slice %arg10[%dma_start3A_11, %dma_start3A_12] : memref<256x32xf32, #tpu.memory_space<vmem>> -> memref<128x32xf32, #tpu.memory_space<vmem>>
    %dma_start3A_14 = arith.constant 0 : i32
    %dma_start3A_15 = tpu.memref_slice %arg8[%dma_start3A_10, %dma_start3A_14] : memref<2x128xi32, #tpu.memory_space<vmem>> -> memref<1x128xi32, #tpu.memory_space<vmem>>
    %dma_start3A_16 = tpu.memref_squeeze %dma_start3A_15 : memref<1x128xi32, #tpu.memory_space<vmem>> -> memref<128xi32, #tpu.memory_space<vmem>>
    %dma_start3A_17 = arith.constant 0 : i32
    %dma_start3A_18 = arith.constant 0 : i32
    %dma_start3A_19 = tpu.memref_slice %arg2[%dma_start3A_17, %dma_start3A_18] : memref<800000x32xf32, #tpu.memory_space<hbm>> -> memref<800000x32xf32, #tpu.memory_space<hbm>>
    tpu.enqueue_indirect_dma source(%dma_start3A_19 : memref<800000x32xf32, #tpu.memory_space<hbm>>) target(%dma_start3A_13 : memref<128x32xf32, #tpu.memory_space<vmem>>) offsets(%dma_start3A_16 : memref<128xi32, #tpu.memory_space<vmem>>) semaphore(%arg12 : memref<!tpu.dma_semaphore, #tpu.memory_space<semaphore_mem>>)
    %dma_wait3A = arith.constant 0 : i32
    %dma_wait3A_20 = arith.constant 0 : i32
    %dma_wait3A_21 = arith.constant 0 : i32
    %dma_wait3A_22 = tpu.memref_slice %arg10[%dma_wait3A_20, %dma_wait3A_21] : memref<256x32xf32, #tpu.memory_space<vmem>> -> memref<128x32xf32, #tpu.memory_space<vmem>>
    %dma_wait3A_23 = arith.constant 0 : i32
    %dma_wait3A_24 = tpu.memref_slice %arg8[%dma_wait3A, %dma_wait3A_23] : memref<2x128xi32, #tpu.memory_space<vmem>> -> memref<1x128xi32, #tpu.memory_space<vmem>>
    %dma_wait3A_25 = tpu.memref_squeeze %dma_wait3A_24 : memref<1x128xi32, #tpu.memory_space<vmem>> -> memref<128xi32, #tpu.memory_space<vmem>>
    %dma_wait3A_26 = arith.constant 0 : i32
    %dma_wait3A_27 = arith.constant 0 : i32
    %dma_wait3A_28 = tpu.memref_slice %arg2[%dma_wait3A_26, %dma_wait3A_27] : memref<800000x32xf32, #tpu.memory_space<hbm>> -> memref<800000x32xf32, #tpu.memory_space<hbm>>
    tpu.wait_indirect_dma semaphore(%arg12 : memref<!tpu.dma_semaphore, #tpu.memory_space<semaphore_mem>>) src(%dma_wait3A_28 : memref<800000x32xf32, #tpu.memory_space<hbm>>) dst(%dma_wait3A_22 : memref<128x32xf32, #tpu.memory_space<vmem>>)
    %dma_wait3A_29 = arith.constant 1 : i32
    %dma_wait3A_30 = arith.constant 128 : i32
    %dma_wait3A_31 = arith.constant 0 : i32
    %dma_wait3A_32 = tpu.memref_slice %arg10[%dma_wait3A_30, %dma_wait3A_31] : memref<256x32xf32, #tpu.memory_space<vmem>> -> memref<128x32xf32, #tpu.memory_space<vmem>>
    %dma_wait3A_33 = arith.constant 0 : i32
    %dma_wait3A_34 = tpu.memref_slice %arg8[%dma_wait3A_29, %dma_wait3A_33] : memref<2x128xi32, #tpu.memory_space<vmem>> -> memref<1x128xi32, #tpu.memory_space<vmem>>
    %dma_wait3A_35 = tpu.memref_squeeze %dma_wait3A_34 : memref<1x128xi32, #tpu.memory_space<vmem>> -> memref<128xi32, #tpu.memory_space<vmem>>
    %dma_wait3A_36 = arith.constant 0 : i32
    %dma_wait3A_37 = arith.constant 0 : i32
    %dma_wait3A_38 = tpu.memref_slice %arg2[%dma_wait3A_36, %dma_wait3A_37] : memref<800000x32xf32, #tpu.memory_space<hbm>> -> memref<800000x32xf32, #tpu.memory_space<hbm>>
    tpu.wait_indirect_dma semaphore(%arg12 : memref<!tpu.dma_semaphore, #tpu.memory_space<semaphore_mem>>) src(%dma_wait3A_38 : memref<800000x32xf32, #tpu.memory_space<hbm>>) dst(%dma_wait3A_32 : memref<128x32xf32, #tpu.memory_space<vmem>>)
    %mul3A_39 = arith.constant 2 : i32
    %mul3A_40 = arith.muli %add3A, %mul3A_39 : i32
    %mul3A_41 = arith.constant 128 : i32
    %mul3A_42 = arith.muli %mul3A_40, %mul3A_41 : i32
    "tpu.region"() ({
      %run_scoped3A = tpu.sem_alloc : memref<!tpu.dma_semaphore, #tpu.memory_space<semaphore_mem>>
      %dma_start3A_47 = arith.constant 0 : i32
      %dma_start3A_48 = tpu.memref_slice %arg6[%mul3A_42, %dma_start3A_47] : memref<8192x32xf32, #tpu.memory_space<hbm>> -> memref<256x32xf32, #tpu.memory_space<hbm>>
      %dma_start3A_49 = arith.constant 0 : i32
      %dma_start3A_50 = tpu.memref_slice %arg6[%mul3A_42, %dma_start3A_49] : memref<8192x32xf32, #tpu.memory_space<hbm>> -> memref<256x32xf32, #tpu.memory_space<hbm>>
      tpu.enqueue_dma source(%arg10 : memref<256x32xf32, #tpu.memory_space<vmem>>) target(%dma_start3A_50 : memref<256x32xf32, #tpu.memory_space<hbm>>) target_semaphore(%run_scoped3A : memref<!tpu.dma_semaphore, #tpu.memory_space<semaphore_mem>>)
      %dma_wait3A_51 = arith.constant 0 : i32
      %dma_wait3A_52 = tpu.memref_slice %arg6[%mul3A_42, %dma_wait3A_51] : memref<8192x32xf32, #tpu.memory_space<hbm>> -> memref<256x32xf32, #tpu.memory_space<hbm>>
      %dma_wait3A_53 = arith.constant 0 : i32
      %dma_wait3A_54 = tpu.memref_slice %arg6[%mul3A_42, %dma_wait3A_53] : memref<8192x32xf32, #tpu.memory_space<hbm>> -> memref<256x32xf32, #tpu.memory_space<hbm>>
      tpu.wait_dma2 semaphore(%run_scoped3A : memref<!tpu.dma_semaphore, #tpu.memory_space<semaphore_mem>>) src(%arg10 : memref<256x32xf32, #tpu.memory_space<vmem>>) dst(%dma_wait3A_54 : memref<256x32xf32, #tpu.memory_space<hbm>>)
      tpu.yield
    }) : () -> ()
    %scan3A = arith.constant 0 : i32
    %scan3A_43 = arith.constant 5 : i32
    %scan3A_44 = arith.addi %scan3A, %scan3A_43 : i32
    %scan3A_45 = arith.constant 1 : i32
    scf.for %scan3A_47 = %scan3A to %scan3A_44 step %scan3A_45  : i32 {
      %mul3A_48 = arith.constant 10 : i32
      %mul3A_49 = arith.muli %scan3A_47, %mul3A_48 : i32
      %add3A_50 = arith.constant 0 : i32
      %add3A_51 = arith.addi %mul3A_49, %add3A_50 : i32
      %dma_start3A_52 = arith.constant 0 : i32
      %dma_start3A_53 = arith.constant 0 : i32
      %dma_start3A_54 = tpu.memref_slice %arg11[%dma_start3A_52, %dma_start3A_53] : memref<1280x32xf32, #tpu.memory_space<vmem>> -> memref<128x32xf32, #tpu.memory_space<vmem>>
      %dma_start3A_55 = arith.constant 0 : i32
      %dma_start3A_56 = tpu.memref_slice %arg9[%add3A_51, %dma_start3A_55] : memref<50x128xi32, #tpu.memory_space<vmem>> -> memref<1x128xi32, #tpu.memory_space<vmem>>
      %dma_start3A_57 = tpu.memref_squeeze %dma_start3A_56 : memref<1x128xi32, #tpu.memory_space<vmem>> -> memref<128xi32, #tpu.memory_space<vmem>>
      %dma_start3A_58 = arith.constant 0 : i32
      %dma_start3A_59 = arith.constant 0 : i32
      %dma_start3A_60 = tpu.memref_slice %arg3[%dma_start3A_58, %dma_start3A_59] : memref<400000x32xf32, #tpu.memory_space<hbm>> -> memref<400000x32xf32, #tpu.memory_space<hbm>>
      tpu.enqueue_indirect_dma source(%dma_start3A_60 : memref<400000x32xf32, #tpu.memory_space<hbm>>) target(%dma_start3A_54 : memref<128x32xf32, #tpu.memory_space<vmem>>) offsets(%dma_start3A_57 : memref<128xi32, #tpu.memory_space<vmem>>) semaphore(%arg12 : memref<!tpu.dma_semaphore, #tpu.memory_space<semaphore_mem>>)
      %mul3A_61 = arith.constant 10 : i32
      %mul3A_62 = arith.muli %scan3A_47, %mul3A_61 : i32
      %add3A_63 = arith.constant 1 : i32
      %add3A_64 = arith.addi %mul3A_62, %add3A_63 : i32
      %dma_start3A_65 = arith.constant 128 : i32
      %dma_start3A_66 = arith.constant 0 : i32
      %dma_start3A_67 = tpu.memref_slice %arg11[%dma_start3A_65, %dma_start3A_66] : memref<1280x32xf32, #tpu.memory_space<vmem>> -> memref<128x32xf32, #tpu.memory_space<vmem>>
      %dma_start3A_68 = arith.constant 0 : i32
      %dma_start3A_69 = tpu.memref_slice %arg9[%add3A_64, %dma_start3A_68] : memref<50x128xi32, #tpu.memory_space<vmem>> -> memref<1x128xi32, #tpu.memory_space<vmem>>
      %dma_start3A_70 = tpu.memref_squeeze %dma_start3A_69 : memref<1x128xi32, #tpu.memory_space<vmem>> -> memref<128xi32, #tpu.memory_space<vmem>>
      %dma_start3A_71 = arith.constant 0 : i32
      %dma_start3A_72 = arith.constant 0 : i32
      %dma_start3A_73 = tpu.memref_slice %arg3[%dma_start3A_71, %dma_start3A_72] : memref<400000x32xf32, #tpu.memory_space<hbm>> -> memref<400000x32xf32, #tpu.memory_space<hbm>>
      tpu.enqueue_indirect_dma source(%dma_start3A_73 : memref<400000x32xf32, #tpu.memory_space<hbm>>) target(%dma_start3A_67 : memref<128x32xf32, #tpu.memory_space<vmem>>) offsets(%dma_start3A_70 : memref<128xi32, #tpu.memory_space<vmem>>) semaphore(%arg12 : memref<!tpu.dma_semaphore, #tpu.memory_space<semaphore_mem>>)
      %mul3A_74 = arith.constant 10 : i32
      %mul3A_75 = arith.muli %scan3A_47, %mul3A_74 : i32
      %add3A_76 = arith.constant 2 : i32
      %add3A_77 = arith.addi %mul3A_75, %add3A_76 : i32
      %dma_start3A_78 = arith.constant 256 : i32
      %dma_start3A_79 = arith.constant 0 : i32
      %dma_start3A_80 = tpu.memref_slice %arg11[%dma_start3A_78, %dma_start3A_79] : memref<1280x32xf32, #tpu.memory_space<vmem>> -> memref<128x32xf32, #tpu.memory_space<vmem>>
      %dma_start3A_81 = arith.constant 0 : i32
      %dma_start3A_82 = tpu.memref_slice %arg9[%add3A_77, %dma_start3A_81] : memref<50x128xi32, #tpu.memory_space<vmem>> -> memref<1x128xi32, #tpu.memory_space<vmem>>
      %dma_start3A_83 = tpu.memref_squeeze %dma_start3A_82 : memref<1x128xi32, #tpu.memory_space<vmem>> -> memref<128xi32, #tpu.memory_space<vmem>>
      %dma_start3A_84 = arith.constant 0 : i32
      %dma_start3A_85 = arith.constant 0 : i32
      %dma_start3A_86 = tpu.memref_slice %arg3[%dma_start3A_84, %dma_start3A_85] : memref<400000x32xf32, #tpu.memory_space<hbm>> -> memref<400000x32xf32, #tpu.memory_space<hbm>>
      tpu.enqueue_indirect_dma source(%dma_start3A_86 : memref<400000x32xf32, #tpu.memory_space<hbm>>) target(%dma_start3A_80 : memref<128x32xf32, #tpu.memory_space<vmem>>) offsets(%dma_start3A_83 : memref<128xi32, #tpu.memory_space<vmem>>) semaphore(%arg12 : memref<!tpu.dma_semaphore, #tpu.memory_space<semaphore_mem>>)
      %mul3A_87 = arith.constant 10 : i32
      %mul3A_88 = arith.muli %scan3A_47, %mul3A_87 : i32
      %add3A_89 = arith.constant 3 : i32
      %add3A_90 = arith.addi %mul3A_88, %add3A_89 : i32
      %dma_start3A_91 = arith.constant 384 : i32
      %dma_start3A_92 = arith.constant 0 : i32
      %dma_start3A_93 = tpu.memref_slice %arg11[%dma_start3A_91, %dma_start3A_92] : memref<1280x32xf32, #tpu.memory_space<vmem>> -> memref<128x32xf32, #tpu.memory_space<vmem>>
      %dma_start3A_94 = arith.constant 0 : i32
      %dma_start3A_95 = tpu.memref_slice %arg9[%add3A_90, %dma_start3A_94] : memref<50x128xi32, #tpu.memory_space<vmem>> -> memref<1x128xi32, #tpu.memory_space<vmem>>
      %dma_start3A_96 = tpu.memref_squeeze %dma_start3A_95 : memref<1x128xi32, #tpu.memory_space<vmem>> -> memref<128xi32, #tpu.memory_space<vmem>>
      %dma_start3A_97 = arith.constant 0 : i32
      %dma_start3A_98 = arith.constant 0 : i32
      %dma_start3A_99 = tpu.memref_slice %arg3[%dma_start3A_97, %dma_start3A_98] : memref<400000x32xf32, #tpu.memory_space<hbm>> -> memref<400000x32xf32, #tpu.memory_space<hbm>>
      tpu.enqueue_indirect_dma source(%dma_start3A_99 : memref<400000x32xf32, #tpu.memory_space<hbm>>) target(%dma_start3A_93 : memref<128x32xf32, #tpu.memory_space<vmem>>) offsets(%dma_start3A_96 : memref<128xi32, #tpu.memory_space<vmem>>) semaphore(%arg12 : memref<!tpu.dma_semaphore, #tpu.memory_space<semaphore_mem>>)
      %mul3A_100 = arith.constant 10 : i32
      %mul3A_101 = arith.muli %scan3A_47, %mul3A_100 : i32
      %add3A_102 = arith.constant 4 : i32
      %add3A_103 = arith.addi %mul3A_101, %add3A_102 : i32
      %dma_start3A_104 = arith.constant 512 : i32
      %dma_start3A_105 = arith.constant 0 : i32
      %dma_start3A_106 = tpu.memref_slice %arg11[%dma_start3A_104, %dma_start3A_105] : memref<1280x32xf32, #tpu.memory_space<vmem>> -> memref<128x32xf32, #tpu.memory_space<vmem>>
      %dma_start3A_107 = arith.constant 0 : i32
      %dma_start3A_108 = tpu.memref_slice %arg9[%add3A_103, %dma_start3A_107] : memref<50x128xi32, #tpu.memory_space<vmem>> -> memref<1x128xi32, #tpu.memory_space<vmem>>
      %dma_start3A_109 = tpu.memref_squeeze %dma_start3A_108 : memref<1x128xi32, #tpu.memory_space<vmem>> -> memref<128xi32, #tpu.memory_space<vmem>>
      %dma_start3A_110 = arith.constant 0 : i32
      %dma_start3A_111 = arith.constant 0 : i32
      %dma_start3A_112 = tpu.memref_slice %arg3[%dma_start3A_110, %dma_start3A_111] : memref<400000x32xf32, #tpu.memory_space<hbm>> -> memref<400000x32xf32, #tpu.memory_space<hbm>>
      tpu.enqueue_indirect_dma source(%dma_start3A_112 : memref<400000x32xf32, #tpu.memory_space<hbm>>) target(%dma_start3A_106 : memref<128x32xf32, #tpu.memory_space<vmem>>) offsets(%dma_start3A_109 : memref<128xi32, #tpu.memory_space<vmem>>) semaphore(%arg12 : memref<!tpu.dma_semaphore, #tpu.memory_space<semaphore_mem>>)
      %mul3A_113 = arith.constant 10 : i32
      %mul3A_114 = arith.muli %scan3A_47, %mul3A_113 : i32
      %add3A_115 = arith.constant 5 : i32
      %add3A_116 = arith.addi %mul3A_114, %add3A_115 : i32
      %dma_start3A_117 = arith.constant 640 : i32
      %dma_start3A_118 = arith.constant 0 : i32
      %dma_start3A_119 = tpu.memref_slice %arg11[%dma_start3A_117, %dma_start3A_118] : memref<1280x32xf32, #tpu.memory_space<vmem>> -> memref<128x32xf32, #tpu.memory_space<vmem>>
      %dma_start3A_120 = arith.constant 0 : i32
      %dma_start3A_121 = tpu.memref_slice %arg9[%add3A_116, %dma_start3A_120] : memref<50x128xi32, #tpu.memory_space<vmem>> -> memref<1x128xi32, #tpu.memory_space<vmem>>
      %dma_start3A_122 = tpu.memref_squeeze %dma_start3A_121 : memref<1x128xi32, #tpu.memory_space<vmem>> -> memref<128xi32, #tpu.memory_space<vmem>>
      %dma_start3A_123 = arith.constant 0 : i32
      %dma_start3A_124 = arith.constant 0 : i32
      %dma_start3A_125 = tpu.memref_slice %arg3[%dma_start3A_123, %dma_start3A_124] : memref<400000x32xf32, #tpu.memory_space<hbm>> -> memref<400000x32xf32, #tpu.memory_space<hbm>>
      tpu.enqueue_indirect_dma source(%dma_start3A_125 : memref<400000x32xf32, #tpu.memory_space<hbm>>) target(%dma_start3A_119 : memref<128x32xf32, #tpu.memory_space<vmem>>) offsets(%dma_start3A_122 : memref<128xi32, #tpu.memory_space<vmem>>) semaphore(%arg12 : memref<!tpu.dma_semaphore, #tpu.memory_space<semaphore_mem>>)
      %mul3A_126 = arith.constant 10 : i32
      %mul3A_127 = arith.muli %scan3A_47, %mul3A_126 : i32
      %add3A_128 = arith.constant 6 : i32
      %add3A_129 = arith.addi %mul3A_127, %add3A_128 : i32
      %dma_start3A_130 = arith.constant 768 : i32
      %dma_start3A_131 = arith.constant 0 : i32
      %dma_start3A_132 = tpu.memref_slice %arg11[%dma_start3A_130, %dma_start3A_131] : memref<1280x32xf32, #tpu.memory_space<vmem>> -> memref<128x32xf32, #tpu.memory_space<vmem>>
      %dma_start3A_133 = arith.constant 0 : i32
      %dma_start3A_134 = tpu.memref_slice %arg9[%add3A_129, %dma_start3A_133] : memref<50x128xi32, #tpu.memory_space<vmem>> -> memref<1x128xi32, #tpu.memory_space<vmem>>
      %dma_start3A_135 = tpu.memref_squeeze %dma_start3A_134 : memref<1x128xi32, #tpu.memory_space<vmem>> -> memref<128xi32, #tpu.memory_space<vmem>>
      %dma_start3A_136 = arith.constant 0 : i32
      %dma_start3A_137 = arith.constant 0 : i32
      %dma_start3A_138 = tpu.memref_slice %arg3[%dma_start3A_136, %dma_start3A_137] : memref<400000x32xf32, #tpu.memory_space<hbm>> -> memref<400000x32xf32, #tpu.memory_space<hbm>>
      tpu.enqueue_indirect_dma source(%dma_start3A_138 : memref<400000x32xf32, #tpu.memory_space<hbm>>) target(%dma_start3A_132 : memref<128x32xf32, #tpu.memory_space<vmem>>) offsets(%dma_start3A_135 : memref<128xi32, #tpu.memory_space<vmem>>) semaphore(%arg12 : memref<!tpu.dma_semaphore, #tpu.memory_space<semaphore_mem>>)
      %mul3A_139 = arith.constant 10 : i32
      %mul3A_140 = arith.muli %scan3A_47, %mul3A_139 : i32
      %add3A_141 = arith.constant 7 : i32
      %add3A_142 = arith.addi %mul3A_140, %add3A_141 : i32
      %dma_start3A_143 = arith.constant 896 : i32
      %dma_start3A_144 = arith.constant 0 : i32
      %dma_start3A_145 = tpu.memref_slice %arg11[%dma_start3A_143, %dma_start3A_144] : memref<1280x32xf32, #tpu.memory_space<vmem>> -> memref<128x32xf32, #tpu.memory_space<vmem>>
      %dma_start3A_146 = arith.constant 0 : i32
      %dma_start3A_147 = tpu.memref_slice %arg9[%add3A_142, %dma_start3A_146] : memref<50x128xi32, #tpu.memory_space<vmem>> -> memref<1x128xi32, #tpu.memory_space<vmem>>
      %dma_start3A_148 = tpu.memref_squeeze %dma_start3A_147 : memref<1x128xi32, #tpu.memory_space<vmem>> -> memref<128xi32, #tpu.memory_space<vmem>>
      %dma_start3A_149 = arith.constant 0 : i32
      %dma_start3A_150 = arith.constant 0 : i32
      %dma_start3A_151 = tpu.memref_slice %arg3[%dma_start3A_149, %dma_start3A_150] : memref<400000x32xf32, #tpu.memory_space<hbm>> -> memref<400000x32xf32, #tpu.memory_space<hbm>>
      tpu.enqueue_indirect_dma source(%dma_start3A_151 : memref<400000x32xf32, #tpu.memory_space<hbm>>) target(%dma_start3A_145 : memref<128x32xf32, #tpu.memory_space<vmem>>) offsets(%dma_start3A_148 : memref<128xi32, #tpu.memory_space<vmem>>) semaphore(%arg12 : memref<!tpu.dma_semaphore, #tpu.memory_space<semaphore_mem>>)
      %mul3A_152 = arith.constant 10 : i32
      %mul3A_153 = arith.muli %scan3A_47, %mul3A_152 : i32
      %add3A_154 = arith.constant 8 : i32
      %add3A_155 = arith.addi %mul3A_153, %add3A_154 : i32
      %dma_start3A_156 = arith.constant 1024 : i32
      %dma_start3A_157 = arith.constant 0 : i32
      %dma_start3A_158 = tpu.memref_slice %arg11[%dma_start3A_156, %dma_start3A_157] : memref<1280x32xf32, #tpu.memory_space<vmem>> -> memref<128x32xf32, #tpu.memory_space<vmem>>
      %dma_start3A_159 = arith.constant 0 : i32
      %dma_start3A_160 = tpu.memref_slice %arg9[%add3A_155, %dma_start3A_159] : memref<50x128xi32, #tpu.memory_space<vmem>> -> memref<1x128xi32, #tpu.memory_space<vmem>>
      %dma_start3A_161 = tpu.memref_squeeze %dma_start3A_160 : memref<1x128xi32, #tpu.memory_space<vmem>> -> memref<128xi32, #tpu.memory_space<vmem>>
      %dma_start3A_162 = arith.constant 0 : i32
      %dma_start3A_163 = arith.constant 0 : i32
      %dma_start3A_164 = tpu.memref_slice %arg3[%dma_start3A_162, %dma_start3A_163] : memref<400000x32xf32, #tpu.memory_space<hbm>> -> memref<400000x32xf32, #tpu.memory_space<hbm>>
      tpu.enqueue_indirect_dma source(%dma_start3A_164 : memref<400000x32xf32, #tpu.memory_space<hbm>>) target(%dma_start3A_158 : memref<128x32xf32, #tpu.memory_space<vmem>>) offsets(%dma_start3A_161 : memref<128xi32, #tpu.memory_space<vmem>>) semaphore(%arg12 : memref<!tpu.dma_semaphore, #tpu.memory_space<semaphore_mem>>)
      %mul3A_165 = arith.constant 10 : i32
      %mul3A_166 = arith.muli %scan3A_47, %mul3A_165 : i32
      %add3A_167 = arith.constant 9 : i32
      %add3A_168 = arith.addi %mul3A_166, %add3A_167 : i32
      %dma_start3A_169 = arith.constant 1152 : i32
      %dma_start3A_170 = arith.constant 0 : i32
      %dma_start3A_171 = tpu.memref_slice %arg11[%dma_start3A_169, %dma_start3A_170] : memref<1280x32xf32, #tpu.memory_space<vmem>> -> memref<128x32xf32, #tpu.memory_space<vmem>>
      %dma_start3A_172 = arith.constant 0 : i32
      %dma_start3A_173 = tpu.memref_slice %arg9[%add3A_168, %dma_start3A_172] : memref<50x128xi32, #tpu.memory_space<vmem>> -> memref<1x128xi32, #tpu.memory_space<vmem>>
      %dma_start3A_174 = tpu.memref_squeeze %dma_start3A_173 : memref<1x128xi32, #tpu.memory_space<vmem>> -> memref<128xi32, #tpu.memory_space<vmem>>
      %dma_start3A_175 = arith.constant 0 : i32
      %dma_start3A_176 = arith.constant 0 : i32
      %dma_start3A_177 = tpu.memref_slice %arg3[%dma_start3A_175, %dma_start3A_176] : memref<400000x32xf32, #tpu.memory_space<hbm>> -> memref<400000x32xf32, #tpu.memory_space<hbm>>
      tpu.enqueue_indirect_dma source(%dma_start3A_177 : memref<400000x32xf32, #tpu.memory_space<hbm>>) target(%dma_start3A_171 : memref<128x32xf32, #tpu.memory_space<vmem>>) offsets(%dma_start3A_174 : memref<128xi32, #tpu.memory_space<vmem>>) semaphore(%arg12 : memref<!tpu.dma_semaphore, #tpu.memory_space<semaphore_mem>>)
      %dma_wait3A_178 = arith.constant 0 : i32
      %dma_wait3A_179 = arith.constant 0 : i32
      %dma_wait3A_180 = tpu.memref_slice %arg11[%dma_wait3A_178, %dma_wait3A_179] : memref<1280x32xf32, #tpu.memory_space<vmem>> -> memref<128x32xf32, #tpu.memory_space<vmem>>
      %dma_wait3A_181 = arith.constant 0 : i32
      %dma_wait3A_182 = tpu.memref_slice %arg9[%add3A_51, %dma_wait3A_181] : memref<50x128xi32, #tpu.memory_space<vmem>> -> memref<1x128xi32, #tpu.memory_space<vmem>>
      %dma_wait3A_183 = tpu.memref_squeeze %dma_wait3A_182 : memref<1x128xi32, #tpu.memory_space<vmem>> -> memref<128xi32, #tpu.memory_space<vmem>>
      %dma_wait3A_184 = arith.constant 0 : i32
      %dma_wait3A_185 = arith.constant 0 : i32
      %dma_wait3A_186 = tpu.memref_slice %arg3[%dma_wait3A_184, %dma_wait3A_185] : memref<400000x32xf32, #tpu.memory_space<hbm>> -> memref<400000x32xf32, #tpu.memory_space<hbm>>
      tpu.wait_indirect_dma semaphore(%arg12 : memref<!tpu.dma_semaphore, #tpu.memory_space<semaphore_mem>>) src(%dma_wait3A_186 : memref<400000x32xf32, #tpu.memory_space<hbm>>) dst(%dma_wait3A_180 : memref<128x32xf32, #tpu.memory_space<vmem>>)
      %dma_wait3A_187 = arith.constant 128 : i32
      %dma_wait3A_188 = arith.constant 0 : i32
      %dma_wait3A_189 = tpu.memref_slice %arg11[%dma_wait3A_187, %dma_wait3A_188] : memref<1280x32xf32, #tpu.memory_space<vmem>> -> memref<128x32xf32, #tpu.memory_space<vmem>>
      %dma_wait3A_190 = arith.constant 0 : i32
      %dma_wait3A_191 = tpu.memref_slice %arg9[%add3A_64, %dma_wait3A_190] : memref<50x128xi32, #tpu.memory_space<vmem>> -> memref<1x128xi32, #tpu.memory_space<vmem>>
      %dma_wait3A_192 = tpu.memref_squeeze %dma_wait3A_191 : memref<1x128xi32, #tpu.memory_space<vmem>> -> memref<128xi32, #tpu.memory_space<vmem>>
      %dma_wait3A_193 = arith.constant 0 : i32
      %dma_wait3A_194 = arith.constant 0 : i32
      %dma_wait3A_195 = tpu.memref_slice %arg3[%dma_wait3A_193, %dma_wait3A_194] : memref<400000x32xf32, #tpu.memory_space<hbm>> -> memref<400000x32xf32, #tpu.memory_space<hbm>>
      tpu.wait_indirect_dma semaphore(%arg12 : memref<!tpu.dma_semaphore, #tpu.memory_space<semaphore_mem>>) src(%dma_wait3A_195 : memref<400000x32xf32, #tpu.memory_space<hbm>>) dst(%dma_wait3A_189 : memref<128x32xf32, #tpu.memory_space<vmem>>)
      %dma_wait3A_196 = arith.constant 256 : i32
      %dma_wait3A_197 = arith.constant 0 : i32
      %dma_wait3A_198 = tpu.memref_slice %arg11[%dma_wait3A_196, %dma_wait3A_197] : memref<1280x32xf32, #tpu.memory_space<vmem>> -> memref<128x32xf32, #tpu.memory_space<vmem>>
      %dma_wait3A_199 = arith.constant 0 : i32
      %dma_wait3A_200 = tpu.memref_slice %arg9[%add3A_77, %dma_wait3A_199] : memref<50x128xi32, #tpu.memory_space<vmem>> -> memref<1x128xi32, #tpu.memory_space<vmem>>
      %dma_wait3A_201 = tpu.memref_squeeze %dma_wait3A_200 : memref<1x128xi32, #tpu.memory_space<vmem>> -> memref<128xi32, #tpu.memory_space<vmem>>
      %dma_wait3A_202 = arith.constant 0 : i32
      %dma_wait3A_203 = arith.constant 0 : i32
      %dma_wait3A_204 = tpu.memref_slice %arg3[%dma_wait3A_202, %dma_wait3A_203] : memref<400000x32xf32, #tpu.memory_space<hbm>> -> memref<400000x32xf32, #tpu.memory_space<hbm>>
      tpu.wait_indirect_dma semaphore(%arg12 : memref<!tpu.dma_semaphore, #tpu.memory_space<semaphore_mem>>) src(%dma_wait3A_204 : memref<400000x32xf32, #tpu.memory_space<hbm>>) dst(%dma_wait3A_198 : memref<128x32xf32, #tpu.memory_space<vmem>>)
      %dma_wait3A_205 = arith.constant 384 : i32
      %dma_wait3A_206 = arith.constant 0 : i32
      %dma_wait3A_207 = tpu.memref_slice %arg11[%dma_wait3A_205, %dma_wait3A_206] : memref<1280x32xf32, #tpu.memory_space<vmem>> -> memref<128x32xf32, #tpu.memory_space<vmem>>
      %dma_wait3A_208 = arith.constant 0 : i32
      %dma_wait3A_209 = tpu.memref_slice %arg9[%add3A_90, %dma_wait3A_208] : memref<50x128xi32, #tpu.memory_space<vmem>> -> memref<1x128xi32, #tpu.memory_space<vmem>>
      %dma_wait3A_210 = tpu.memref_squeeze %dma_wait3A_209 : memref<1x128xi32, #tpu.memory_space<vmem>> -> memref<128xi32, #tpu.memory_space<vmem>>
      %dma_wait3A_211 = arith.constant 0 : i32
      %dma_wait3A_212 = arith.constant 0 : i32
      %dma_wait3A_213 = tpu.memref_slice %arg3[%dma_wait3A_211, %dma_wait3A_212] : memref<400000x32xf32, #tpu.memory_space<hbm>> -> memref<400000x32xf32, #tpu.memory_space<hbm>>
      tpu.wait_indirect_dma semaphore(%arg12 : memref<!tpu.dma_semaphore, #tpu.memory_space<semaphore_mem>>) src(%dma_wait3A_213 : memref<400000x32xf32, #tpu.memory_space<hbm>>) dst(%dma_wait3A_207 : memref<128x32xf32, #tpu.memory_space<vmem>>)
      %dma_wait3A_214 = arith.constant 512 : i32
      %dma_wait3A_215 = arith.constant 0 : i32
      %dma_wait3A_216 = tpu.memref_slice %arg11[%dma_wait3A_214, %dma_wait3A_215] : memref<1280x32xf32, #tpu.memory_space<vmem>> -> memref<128x32xf32, #tpu.memory_space<vmem>>
      %dma_wait3A_217 = arith.constant 0 : i32
      %dma_wait3A_218 = tpu.memref_slice %arg9[%add3A_103, %dma_wait3A_217] : memref<50x128xi32, #tpu.memory_space<vmem>> -> memref<1x128xi32, #tpu.memory_space<vmem>>
      %dma_wait3A_219 = tpu.memref_squeeze %dma_wait3A_218 : memref<1x128xi32, #tpu.memory_space<vmem>> -> memref<128xi32, #tpu.memory_space<vmem>>
      %dma_wait3A_220 = arith.constant 0 : i32
      %dma_wait3A_221 = arith.constant 0 : i32
      %dma_wait3A_222 = tpu.memref_slice %arg3[%dma_wait3A_220, %dma_wait3A_221] : memref<400000x32xf32, #tpu.memory_space<hbm>> -> memref<400000x32xf32, #tpu.memory_space<hbm>>
      tpu.wait_indirect_dma semaphore(%arg12 : memref<!tpu.dma_semaphore, #tpu.memory_space<semaphore_mem>>) src(%dma_wait3A_222 : memref<400000x32xf32, #tpu.memory_space<hbm>>) dst(%dma_wait3A_216 : memref<128x32xf32, #tpu.memory_space<vmem>>)
      %dma_wait3A_223 = arith.constant 640 : i32
      %dma_wait3A_224 = arith.constant 0 : i32
      %dma_wait3A_225 = tpu.memref_slice %arg11[%dma_wait3A_223, %dma_wait3A_224] : memref<1280x32xf32, #tpu.memory_space<vmem>> -> memref<128x32xf32, #tpu.memory_space<vmem>>
      %dma_wait3A_226 = arith.constant 0 : i32
      %dma_wait3A_227 = tpu.memref_slice %arg9[%add3A_116, %dma_wait3A_226] : memref<50x128xi32, #tpu.memory_space<vmem>> -> memref<1x128xi32, #tpu.memory_space<vmem>>
      %dma_wait3A_228 = tpu.memref_squeeze %dma_wait3A_227 : memref<1x128xi32, #tpu.memory_space<vmem>> -> memref<128xi32, #tpu.memory_space<vmem>>
      %dma_wait3A_229 = arith.constant 0 : i32
      %dma_wait3A_230 = arith.constant 0 : i32
      %dma_wait3A_231 = tpu.memref_slice %arg3[%dma_wait3A_229, %dma_wait3A_230] : memref<400000x32xf32, #tpu.memory_space<hbm>> -> memref<400000x32xf32, #tpu.memory_space<hbm>>
      tpu.wait_indirect_dma semaphore(%arg12 : memref<!tpu.dma_semaphore, #tpu.memory_space<semaphore_mem>>) src(%dma_wait3A_231 : memref<400000x32xf32, #tpu.memory_space<hbm>>) dst(%dma_wait3A_225 : memref<128x32xf32, #tpu.memory_space<vmem>>)
      %dma_wait3A_232 = arith.constant 768 : i32
      %dma_wait3A_233 = arith.constant 0 : i32
      %dma_wait3A_234 = tpu.memref_slice %arg11[%dma_wait3A_232, %dma_wait3A_233] : memref<1280x32xf32, #tpu.memory_space<vmem>> -> memref<128x32xf32, #tpu.memory_space<vmem>>
      %dma_wait3A_235 = arith.constant 0 : i32
      %dma_wait3A_236 = tpu.memref_slice %arg9[%add3A_129, %dma_wait3A_235] : memref<50x128xi32, #tpu.memory_space<vmem>> -> memref<1x128xi32, #tpu.memory_space<vmem>>
      %dma_wait3A_237 = tpu.memref_squeeze %dma_wait3A_236 : memref<1x128xi32, #tpu.memory_space<vmem>> -> memref<128xi32, #tpu.memory_space<vmem>>
      %dma_wait3A_238 = arith.constant 0 : i32
      %dma_wait3A_239 = arith.constant 0 : i32
      %dma_wait3A_240 = tpu.memref_slice %arg3[%dma_wait3A_238, %dma_wait3A_239] : memref<400000x32xf32, #tpu.memory_space<hbm>> -> memref<400000x32xf32, #tpu.memory_space<hbm>>
      tpu.wait_indirect_dma semaphore(%arg12 : memref<!tpu.dma_semaphore, #tpu.memory_space<semaphore_mem>>) src(%dma_wait3A_240 : memref<400000x32xf32, #tpu.memory_space<hbm>>) dst(%dma_wait3A_234 : memref<128x32xf32, #tpu.memory_space<vmem>>)
      %dma_wait3A_241 = arith.constant 896 : i32
      %dma_wait3A_242 = arith.constant 0 : i32
      %dma_wait3A_243 = tpu.memref_slice %arg11[%dma_wait3A_241, %dma_wait3A_242] : memref<1280x32xf32, #tpu.memory_space<vmem>> -> memref<128x32xf32, #tpu.memory_space<vmem>>
      %dma_wait3A_244 = arith.constant 0 : i32
      %dma_wait3A_245 = tpu.memref_slice %arg9[%add3A_142, %dma_wait3A_244] : memref<50x128xi32, #tpu.memory_space<vmem>> -> memref<1x128xi32, #tpu.memory_space<vmem>>
      %dma_wait3A_246 = tpu.memref_squeeze %dma_wait3A_245 : memref<1x128xi32, #tpu.memory_space<vmem>> -> memref<128xi32, #tpu.memory_space<vmem>>
      %dma_wait3A_247 = arith.constant 0 : i32
      %dma_wait3A_248 = arith.constant 0 : i32
      %dma_wait3A_249 = tpu.memref_slice %arg3[%dma_wait3A_247, %dma_wait3A_248] : memref<400000x32xf32, #tpu.memory_space<hbm>> -> memref<400000x32xf32, #tpu.memory_space<hbm>>
      tpu.wait_indirect_dma semaphore(%arg12 : memref<!tpu.dma_semaphore, #tpu.memory_space<semaphore_mem>>) src(%dma_wait3A_249 : memref<400000x32xf32, #tpu.memory_space<hbm>>) dst(%dma_wait3A_243 : memref<128x32xf32, #tpu.memory_space<vmem>>)
      %dma_wait3A_250 = arith.constant 1024 : i32
      %dma_wait3A_251 = arith.constant 0 : i32
      %dma_wait3A_252 = tpu.memref_slice %arg11[%dma_wait3A_250, %dma_wait3A_251] : memref<1280x32xf32, #tpu.memory_space<vmem>> -> memref<128x32xf32, #tpu.memory_space<vmem>>
      %dma_wait3A_253 = arith.constant 0 : i32
      %dma_wait3A_254 = tpu.memref_slice %arg9[%add3A_155, %dma_wait3A_253] : memref<50x128xi32, #tpu.memory_space<vmem>> -> memref<1x128xi32, #tpu.memory_space<vmem>>
      %dma_wait3A_255 = tpu.memref_squeeze %dma_wait3A_254 : memref<1x128xi32, #tpu.memory_space<vmem>> -> memref<128xi32, #tpu.memory_space<vmem>>
      %dma_wait3A_256 = arith.constant 0 : i32
      %dma_wait3A_257 = arith.constant 0 : i32
      %dma_wait3A_258 = tpu.memref_slice %arg3[%dma_wait3A_256, %dma_wait3A_257] : memref<400000x32xf32, #tpu.memory_space<hbm>> -> memref<400000x32xf32, #tpu.memory_space<hbm>>
      tpu.wait_indirect_dma semaphore(%arg12 : memref<!tpu.dma_semaphore, #tpu.memory_space<semaphore_mem>>) src(%dma_wait3A_258 : memref<400000x32xf32, #tpu.memory_space<hbm>>) dst(%dma_wait3A_252 : memref<128x32xf32, #tpu.memory_space<vmem>>)
      %dma_wait3A_259 = arith.constant 1152 : i32
      %dma_wait3A_260 = arith.constant 0 : i32
      %dma_wait3A_261 = tpu.memref_slice %arg11[%dma_wait3A_259, %dma_wait3A_260] : memref<1280x32xf32, #tpu.memory_space<vmem>> -> memref<128x32xf32, #tpu.memory_space<vmem>>
      %dma_wait3A_262 = arith.constant 0 : i32
      %dma_wait3A_263 = tpu.memref_slice %arg9[%add3A_168, %dma_wait3A_262] : memref<50x128xi32, #tpu.memory_space<vmem>> -> memref<1x128xi32, #tpu.memory_space<vmem>>
      %dma_wait3A_264 = tpu.memref_squeeze %dma_wait3A_263 : memref<1x128xi32, #tpu.memory_space<vmem>> -> memref<128xi32, #tpu.memory_space<vmem>>
      %dma_wait3A_265 = arith.constant 0 : i32
      %dma_wait3A_266 = arith.constant 0 : i32
      %dma_wait3A_267 = tpu.memref_slice %arg3[%dma_wait3A_265, %dma_wait3A_266] : memref<400000x32xf32, #tpu.memory_space<hbm>> -> memref<400000x32xf32, #tpu.memory_space<hbm>>
      tpu.wait_indirect_dma semaphore(%arg12 : memref<!tpu.dma_semaphore, #tpu.memory_space<semaphore_mem>>) src(%dma_wait3A_267 : memref<400000x32xf32, #tpu.memory_space<hbm>>) dst(%dma_wait3A_261 : memref<128x32xf32, #tpu.memory_space<vmem>>)
      %mul3A_268 = arith.constant 50 : i32
      %mul3A_269 = arith.muli %add3A, %mul3A_268 : i32
      %mul3A_270 = arith.constant 10 : i32
      %mul3A_271 = arith.muli %scan3A_47, %mul3A_270 : i32
      %add3A_272 = arith.addi %mul3A_269, %mul3A_271 : i32
      %mul3A_273 = arith.constant 128 : i32
      %mul3A_274 = arith.muli %add3A_272, %mul3A_273 : i32
      "tpu.region"() ({
        %run_scoped3A = tpu.sem_alloc : memref<!tpu.dma_semaphore, #tpu.memory_space<semaphore_mem>>
        %dma_start3A_275 = arith.constant 0 : i32
        %dma_start3A_276 = tpu.memref_slice %arg7[%mul3A_274, %dma_start3A_275] : memref<204800x32xf32, #tpu.memory_space<hbm>> -> memref<1280x32xf32, #tpu.memory_space<hbm>>
        %dma_start3A_277 = arith.constant 0 : i32
        %dma_start3A_278 = tpu.memref_slice %arg7[%mul3A_274, %dma_start3A_277] : memref<204800x32xf32, #tpu.memory_space<hbm>> -> memref<1280x32xf32, #tpu.memory_space<hbm>>
        tpu.enqueue_dma source(%arg11 : memref<1280x32xf32, #tpu.memory_space<vmem>>) target(%dma_start3A_278 : memref<1280x32xf32, #tpu.memory_space<hbm>>) target_semaphore(%run_scoped3A : memref<!tpu.dma_semaphore, #tpu.memory_space<semaphore_mem>>)
        %dma_wait3A_279 = arith.constant 0 : i32
        %dma_wait3A_280 = tpu.memref_slice %arg7[%mul3A_274, %dma_wait3A_279] : memref<204800x32xf32, #tpu.memory_space<hbm>> -> memref<1280x32xf32, #tpu.memory_space<hbm>>
        %dma_wait3A_281 = arith.constant 0 : i32
        %dma_wait3A_282 = tpu.memref_slice %arg7[%mul3A_274, %dma_wait3A_281] : memref<204800x32xf32, #tpu.memory_space<hbm>> -> memref<1280x32xf32, #tpu.memory_space<hbm>>
        tpu.wait_dma2 semaphore(%run_scoped3A : memref<!tpu.dma_semaphore, #tpu.memory_space<semaphore_mem>>) src(%arg11 : memref<1280x32xf32, #tpu.memory_space<vmem>>) dst(%dma_wait3A_282 : memref<1280x32xf32, #tpu.memory_space<hbm>>)
        tpu.yield
      }) : () -> ()
    }
    %scan3A_46 = arith.constant 5 : i32
    return
  }
}

module attributes {stable_mosaic.version = 14 : i64} {
  func.func @body(%arg0: i32, %arg1: memref<1x256x128xf32, #tpu.memory_space<vmem>>, %arg2: memref<1x32x1024xf32, #tpu.memory_space<vmem>>) attributes {dimension_semantics = [#tpu.dimension_semantics<arbitrary>], iteration_bounds = array<i64: 8>, scalar_prefetch = 0 : i64, scratch_operands = 0 : i64, tpu.core_type = #tpu.core_type<tc>, window_params = [{transform_indices = @transform_0, window_bounds = array<i64: 1, 256, 128>}, {transform_indices = @transform_1, window_bounds = array<i64: 1, 32, 1024>}]} {
    %iota3A = tpu.iota {dimensions = array<i32: 0>} : vector<32x32xi32>
    %iota3A_0 = tpu.iota {dimensions = array<i32: 1>} : vector<32x32xi32>
    %eq3A = arith.cmpi eq, %iota3A, %iota3A_0 : vector<32x32xi32>
    %convert_element_type3A = arith.extui %eq3A : vector<32x32xi1> to vector<32x32xi32>
    %convert_element_type3A_1 = arith.sitofp %convert_element_type3A : vector<32x32xi32> to vector<32x32xf32>
    %get3A = arith.constant 0 : index
    %get3A_2 = arith.constant 0 : index
    %get3A_3 = arith.constant 0 : index
    %get3A_4 = vector.load %arg1[%get3A, %get3A_2, %get3A_3] : memref<1x256x128xf32, #tpu.memory_space<vmem>>, vector<1x256x128xf32>
    %get3A_5 = vector.shape_cast %get3A_4 : vector<1x256x128xf32> to vector<256x128xf32>
    %slice3A = vector.extract_strided_slice %get3A_5 {offsets = [0, 0], sizes = [256, 32], strides = [1, 1]} : vector<256x128xf32> to vector<256x32xf32>
    %dot_general3A = arith.constant dense<0.000000e+00> : vector<32x256xf32>
    %dot_general3A_6 = tpu.matmul %convert_element_type3A_1, %slice3A, %dot_general3A {dimension_numbers = #tpu.dot_dimension_numbers<[1], [1], [0], [0], [0, 0, 1, 0], [], []>, precision = #tpu.contract_precision<fp32>, transpose_lhs_hint = false} : vector<32x32xf32>, vector<256x32xf32>, vector<32x256xf32> -> vector<32x256xf32>
    %slice3A_7 = vector.extract_strided_slice %get3A_5 {offsets = [0, 32], sizes = [256, 32], strides = [1, 1]} : vector<256x128xf32> to vector<256x32xf32>
    %dot_general3A_8 = arith.constant dense<0.000000e+00> : vector<32x256xf32>
    %dot_general3A_9 = tpu.matmul %convert_element_type3A_1, %slice3A_7, %dot_general3A_8 {dimension_numbers = #tpu.dot_dimension_numbers<[1], [1], [0], [0], [0, 0, 1, 0], [], []>, precision = #tpu.contract_precision<fp32>, transpose_lhs_hint = false} : vector<32x32xf32>, vector<256x32xf32>, vector<32x256xf32> -> vector<32x256xf32>
    %slice3A_10 = vector.extract_strided_slice %get3A_5 {offsets = [0, 64], sizes = [256, 32], strides = [1, 1]} : vector<256x128xf32> to vector<256x32xf32>
    %dot_general3A_11 = arith.constant dense<0.000000e+00> : vector<32x256xf32>
    %dot_general3A_12 = tpu.matmul %convert_element_type3A_1, %slice3A_10, %dot_general3A_11 {dimension_numbers = #tpu.dot_dimension_numbers<[1], [1], [0], [0], [0, 0, 1, 0], [], []>, precision = #tpu.contract_precision<fp32>, transpose_lhs_hint = false} : vector<32x32xf32>, vector<256x32xf32>, vector<32x256xf32> -> vector<32x256xf32>
    %slice3A_13 = vector.extract_strided_slice %get3A_5 {offsets = [0, 96], sizes = [256, 32], strides = [1, 1]} : vector<256x128xf32> to vector<256x32xf32>
    %dot_general3A_14 = arith.constant dense<0.000000e+00> : vector<32x256xf32>
    %dot_general3A_15 = tpu.matmul %convert_element_type3A_1, %slice3A_13, %dot_general3A_14 {dimension_numbers = #tpu.dot_dimension_numbers<[1], [1], [0], [0], [0, 0, 1, 0], [], []>, precision = #tpu.contract_precision<fp32>, transpose_lhs_hint = false} : vector<32x32xf32>, vector<256x32xf32>, vector<32x256xf32> -> vector<32x256xf32>
    %concatenate3A = tpu.concatenate %dot_general3A_6, %dot_general3A_9, %dot_general3A_12, %dot_general3A_15 in 1 : vector<32x256xf32>, vector<32x256xf32>, vector<32x256xf32>, vector<32x256xf32> -> vector<32x1024xf32>
    %swap3A = arith.constant 0 : index
    %swap3A_16 = arith.constant 0 : index
    %swap3A_17 = arith.constant 0 : index
    %swap3A_18 = vector.load %arg2[%swap3A, %swap3A_16, %swap3A_17] : memref<1x32x1024xf32, #tpu.memory_space<vmem>>, vector<1x32x1024xf32>
    %swap3A_19 = vector.shape_cast %swap3A_18 : vector<1x32x1024xf32> to vector<32x1024xf32>
    %swap3A_20 = vector.shape_cast %concatenate3A : vector<32x1024xf32> to vector<1x32x1024xf32>
    tpu.vector_store %arg2[%swap3A, %swap3A_16, %swap3A_17], %swap3A_20 {strides = array<i32>} : memref<1x32x1024xf32, #tpu.memory_space<vmem>>, vector<1x32x1024xf32>,
    return
  }
  func.func @transform_0(%arg0: i32) -> (i32, i32, i32) {
    %c0_i32 = arith.constant 0 : i32
    %c0_i32_0 = arith.constant 0 : i32
    %c0_i32_1 = arith.constant 0 : i32
    return %arg0, %c0_i32, %c0_i32_0 : i32, i32, i32
  }
  func.func @transform_1(%arg0: i32) -> (i32, i32, i32) {
    %c0_i32 = arith.constant 0 : i32
    %c0_i32_0 = arith.constant 0 : i32
    %c0_i32_1 = arith.constant 0 : i32
    return %arg0, %c0_i32, %c0_i32_0 : i32, i32, i32
  }
}

module attributes {stable_mosaic.version = 14 : i64} {
  func.func @body(%arg0: i32, %arg1: memref<1x8x1024xf32, #tpu.memory_space<vmem>>, %arg2: memref<1x4x1024xf32, #tpu.memory_space<vmem>>, %arg3: memref<1x1024x128xf32, #tpu.memory_space<vmem>>, %arg4: memref<8x32xf32, #tpu.memory_space<vmem>>, %arg5: memref<8x32xf32, #tpu.memory_space<vmem>>, %arg6: memref<32x4xf32, #tpu.memory_space<vmem>>, %arg7: memref<32x4xf32, #tpu.memory_space<vmem>>, %arg8: memref<1x12x32x1024xf32, #tpu.memory_space<vmem>>, %arg9: memref<1x32x4x1024xf32, #tpu.memory_space<vmem>>) attributes {dimension_semantics = [#tpu.dimension_semantics<arbitrary>], iteration_bounds = array<i64: 50>, scalar_prefetch = 0 : i64, scratch_operands = 0 : i64, tpu.core_type = #tpu.core_type<tc>, window_params = [{transform_indices = @transform_0, window_bounds = array<i64: 1, 8, 1024>}, {transform_indices = @transform_1, window_bounds = array<i64: 1, 4, 1024>}, {transform_indices = @transform_2, window_bounds = array<i64: 1, 1024, 128>}, {pipeline_mode = #tpu.pipeline_mode<synchronous>, transform_indices = @transform_3, window_bounds = array<i64: 8, 32>}, {pipeline_mode = #tpu.pipeline_mode<synchronous>, transform_indices = @transform_4, window_bounds = array<i64: 8, 32>}, {pipeline_mode = #tpu.pipeline_mode<synchronous>, transform_indices = @transform_5, window_bounds = array<i64: 32, 4>}, {pipeline_mode = #tpu.pipeline_mode<synchronous>, transform_indices = @transform_6, window_bounds = array<i64: 32, 4>}, {transform_indices = @transform_7, window_bounds = array<i64: 1, 12, 32, 1024>}, {transform_indices = @transform_8, window_bounds = array<i64: 1, 32, 4, 1024>}]} {
    %iota3A = tpu.iota {dimensions = array<i32: 0>} : vector<32x32xi32>
    %iota3A_0 = tpu.iota {dimensions = array<i32: 1>} : vector<32x32xi32>
    %eq3A = arith.cmpi eq, %iota3A, %iota3A_0 : vector<32x32xi32>
    %convert_element_type3A = arith.extui %eq3A : vector<32x32xi1> to vector<32x32xi32>
    %convert_element_type3A_1 = arith.sitofp %convert_element_type3A : vector<32x32xi32> to vector<32x32xf32>
    %get3A = arith.constant 0 : index
    %get3A_2 = arith.constant 0 : index
    %get3A_3 = arith.constant 0 : index
    %get3A_4 = vector.load %arg1[%get3A, %get3A_2, %get3A_3] : memref<1x8x1024xf32, #tpu.memory_space<vmem>>, vector<1x8x1024xf32>
    %get3A_5 = vector.shape_cast %get3A_4 : vector<1x8x1024xf32> to vector<8x1024xf32>
    %broadcast_in_dim3A = vector.shape_cast %get3A_5 : vector<8x1024xf32> to vector<8x1x1024xf32>
    %get3A_6 = arith.constant 0 : index
    %get3A_7 = arith.constant 0 : index
    %get3A_8 = vector.load %arg4[%get3A_6, %get3A_7] : memref<8x32xf32, #tpu.memory_space<vmem>>, vector<8x32xf32>
    %broadcast_in_dim3A_9 = vector.shape_cast %get3A_8 : vector<8x32xf32> to vector<8x32x1xf32>
    %mul3A = vector.broadcast %broadcast_in_dim3A : vector<8x1x1024xf32> to vector<8x32x1024xf32>
    %mul3A_10 = vector.broadcast %broadcast_in_dim3A_9 : vector<8x32x1xf32> to vector<8x32x1024xf32>
    %mul3A_11 = arith.mulf %mul3A, %mul3A_10 : vector<8x32x1024xf32>
    %get3A_12 = arith.constant 0 : index
    %get3A_13 = arith.constant 0 : index
    %get3A_14 = vector.load %arg5[%get3A_12, %get3A_13] : memref<8x32xf32, #tpu.memory_space<vmem>>, vector<8x32xf32>
    %broadcast_in_dim3A_15 = vector.shape_cast %get3A_14 : vector<8x32xf32> to vector<8x32x1xf32>
    %add3A = vector.broadcast %broadcast_in_dim3A_15 : vector<8x32x1xf32> to vector<8x32x1024xf32>
    %add3A_16 = arith.addf %mul3A_11, %add3A : vector<8x32x1024xf32>
    %swap3A = arith.constant 0 : index
    %swap3A_17 = arith.constant 0 : index
    %swap3A_18 = arith.constant 0 : index
    %swap3A_19 = arith.constant 0 : index
    %swap3A_20 = vector.load %arg8[%swap3A, %swap3A_17, %swap3A_18, %swap3A_19] : memref<1x12x32x1024xf32, #tpu.memory_space<vmem>>, vector<1x8x32x1024xf32>
    %swap3A_21 = vector.shape_cast %swap3A_20 : vector<1x8x32x1024xf32> to vector<8x32x1024xf32>
    %swap3A_22 = vector.shape_cast %add3A_16 : vector<8x32x1024xf32> to vector<1x8x32x1024xf32>
    tpu.vector_store %arg8[%swap3A, %swap3A_17, %swap3A_18, %swap3A_19], %swap3A_22 {strides = array<i32>} : memref<1x12x32x1024xf32, #tpu.memory_space<vmem>>, vector<1x8x32x1024xf32>,
    %get3A_23 = arith.constant 0 : index
    %get3A_24 = arith.constant 0 : index
    %get3A_25 = arith.constant 0 : index
    %get3A_26 = vector.load %arg3[%get3A_23, %get3A_24, %get3A_25] : memref<1x1024x128xf32, #tpu.memory_space<vmem>>, vector<1x1024x128xf32>
    %get3A_27 = vector.shape_cast %get3A_26 : vector<1x1024x128xf32> to vector<1024x128xf32>
    %slice3A = vector.extract_strided_slice %get3A_27 {offsets = [0, 0], sizes = [256, 128], strides = [1, 1]} : vector<1024x128xf32> to vector<256x128xf32>
    %slice3A_28 = vector.extract_strided_slice %slice3A {offsets = [0, 0], sizes = [256, 32], strides = [1, 1]} : vector<256x128xf32> to vector<256x32xf32>
    %dot_general3A = arith.constant dense<0.000000e+00> : vector<32x256xf32>
    %dot_general3A_29 = tpu.matmul %convert_element_type3A_1, %slice3A_28, %dot_general3A {dimension_numbers = #tpu.dot_dimension_numbers<[1], [1], [0], [0], [0, 0, 1, 0], [], []>, precision = #tpu.contract_precision<fp32>, transpose_lhs_hint = false} : vector<32x32xf32>, vector<256x32xf32>, vector<32x256xf32> -> vector<32x256xf32>
    %slice3A_30 = vector.extract_strided_slice %slice3A {offsets = [0, 32], sizes = [256, 32], strides = [1, 1]} : vector<256x128xf32> to vector<256x32xf32>
    %dot_general3A_31 = arith.constant dense<0.000000e+00> : vector<32x256xf32>
    %dot_general3A_32 = tpu.matmul %convert_element_type3A_1, %slice3A_30, %dot_general3A_31 {dimension_numbers = #tpu.dot_dimension_numbers<[1], [1], [0], [0], [0, 0, 1, 0], [], []>, precision = #tpu.contract_precision<fp32>, transpose_lhs_hint = false} : vector<32x32xf32>, vector<256x32xf32>, vector<32x256xf32> -> vector<32x256xf32>
    %slice3A_33 = vector.extract_strided_slice %slice3A {offsets = [0, 64], sizes = [256, 32], strides = [1, 1]} : vector<256x128xf32> to vector<256x32xf32>
    %dot_general3A_34 = arith.constant dense<0.000000e+00> : vector<32x256xf32>
    %dot_general3A_35 = tpu.matmul %convert_element_type3A_1, %slice3A_33, %dot_general3A_34 {dimension_numbers = #tpu.dot_dimension_numbers<[1], [1], [0], [0], [0, 0, 1, 0], [], []>, precision = #tpu.contract_precision<fp32>, transpose_lhs_hint = false} : vector<32x32xf32>, vector<256x32xf32>, vector<32x256xf32> -> vector<32x256xf32>
    %slice3A_36 = vector.extract_strided_slice %slice3A {offsets = [0, 96], sizes = [256, 32], strides = [1, 1]} : vector<256x128xf32> to vector<256x32xf32>
    %dot_general3A_37 = arith.constant dense<0.000000e+00> : vector<32x256xf32>
    %dot_general3A_38 = tpu.matmul %convert_element_type3A_1, %slice3A_36, %dot_general3A_37 {dimension_numbers = #tpu.dot_dimension_numbers<[1], [1], [0], [0], [0, 0, 1, 0], [], []>, precision = #tpu.contract_precision<fp32>, transpose_lhs_hint = false} : vector<32x32xf32>, vector<256x32xf32>, vector<32x256xf32> -> vector<32x256xf32>
    %concatenate3A = tpu.concatenate %dot_general3A_29, %dot_general3A_32, %dot_general3A_35, %dot_general3A_38 in 1 : vector<32x256xf32>, vector<32x256xf32>, vector<32x256xf32>, vector<32x256xf32> -> vector<32x1024xf32>
    %swap3A_39 = arith.constant 0 : index
    %swap3A_40 = arith.constant 8 : index
    %swap3A_41 = arith.constant 0 : index
    %swap3A_42 = arith.constant 0 : index
    %swap3A_43 = vector.load %arg8[%swap3A_39, %swap3A_40, %swap3A_41, %swap3A_42] : memref<1x12x32x1024xf32, #tpu.memory_space<vmem>>, vector<1x1x32x1024xf32>
    %swap3A_44 = vector.shape_cast %swap3A_43 : vector<1x1x32x1024xf32> to vector<32x1024xf32>
    %swap3A_45 = vector.shape_cast %concatenate3A : vector<32x1024xf32> to vector<1x1x32x1024xf32>
    tpu.vector_store %arg8[%swap3A_39, %swap3A_40, %swap3A_41, %swap3A_42], %swap3A_45 {strides = array<i32>} : memref<1x12x32x1024xf32, #tpu.memory_space<vmem>>, vector<1x1x32x1024xf32>,
    %slice3A_46 = vector.extract_strided_slice %get3A_27 {offsets = [256, 0], sizes = [256, 128], strides = [1, 1]} : vector<1024x128xf32> to vector<256x128xf32>
    %slice3A_47 = vector.extract_strided_slice %slice3A_46 {offsets = [0, 0], sizes = [256, 32], strides = [1, 1]} : vector<256x128xf32> to vector<256x32xf32>
    %dot_general3A_48 = arith.constant dense<0.000000e+00> : vector<32x256xf32>
    %dot_general3A_49 = tpu.matmul %convert_element_type3A_1, %slice3A_47, %dot_general3A_48 {dimension_numbers = #tpu.dot_dimension_numbers<[1], [1], [0], [0], [0, 0, 1, 0], [], []>, precision = #tpu.contract_precision<fp32>, transpose_lhs_hint = false} : vector<32x32xf32>, vector<256x32xf32>, vector<32x256xf32> -> vector<32x256xf32>
    %slice3A_50 = vector.extract_strided_slice %slice3A_46 {offsets = [0, 32], sizes = [256, 32], strides = [1, 1]} : vector<256x128xf32> to vector<256x32xf32>
    %dot_general3A_51 = arith.constant dense<0.000000e+00> : vector<32x256xf32>
    %dot_general3A_52 = tpu.matmul %convert_element_type3A_1, %slice3A_50, %dot_general3A_51 {dimension_numbers = #tpu.dot_dimension_numbers<[1], [1], [0], [0], [0, 0, 1, 0], [], []>, precision = #tpu.contract_precision<fp32>, transpose_lhs_hint = false} : vector<32x32xf32>, vector<256x32xf32>, vector<32x256xf32> -> vector<32x256xf32>
    %slice3A_53 = vector.extract_strided_slice %slice3A_46 {offsets = [0, 64], sizes = [256, 32], strides = [1, 1]} : vector<256x128xf32> to vector<256x32xf32>
    %dot_general3A_54 = arith.constant dense<0.000000e+00> : vector<32x256xf32>
    %dot_general3A_55 = tpu.matmul %convert_element_type3A_1, %slice3A_53, %dot_general3A_54 {dimension_numbers = #tpu.dot_dimension_numbers<[1], [1], [0], [0], [0, 0, 1, 0], [], []>, precision = #tpu.contract_precision<fp32>, transpose_lhs_hint = false} : vector<32x32xf32>, vector<256x32xf32>, vector<32x256xf32> -> vector<32x256xf32>
    %slice3A_56 = vector.extract_strided_slice %slice3A_46 {offsets = [0, 96], sizes = [256, 32], strides = [1, 1]} : vector<256x128xf32> to vector<256x32xf32>
    %dot_general3A_57 = arith.constant dense<0.000000e+00> : vector<32x256xf32>
    %dot_general3A_58 = tpu.matmul %convert_element_type3A_1, %slice3A_56, %dot_general3A_57 {dimension_numbers = #tpu.dot_dimension_numbers<[1], [1], [0], [0], [0, 0, 1, 0], [], []>, precision = #tpu.contract_precision<fp32>, transpose_lhs_hint = false} : vector<32x32xf32>, vector<256x32xf32>, vector<32x256xf32> -> vector<32x256xf32>
    %concatenate3A_59 = tpu.concatenate %dot_general3A_49, %dot_general3A_52, %dot_general3A_55, %dot_general3A_58 in 1 : vector<32x256xf32>, vector<32x256xf32>, vector<32x256xf32>, vector<32x256xf32> -> vector<32x1024xf32>
    %swap3A_60 = arith.constant 0 : index
    %swap3A_61 = arith.constant 9 : index
    %swap3A_62 = arith.constant 0 : index
    %swap3A_63 = arith.constant 0 : index
    %swap3A_64 = vector.load %arg8[%swap3A_60, %swap3A_61, %swap3A_62, %swap3A_63] : memref<1x12x32x1024xf32, #tpu.memory_space<vmem>>, vector<1x1x32x1024xf32>
    %swap3A_65 = vector.shape_cast %swap3A_64 : vector<1x1x32x1024xf32> to vector<32x1024xf32>
    %swap3A_66 = vector.shape_cast %concatenate3A_59 : vector<32x1024xf32> to vector<1x1x32x1024xf32>
    tpu.vector_store %arg8[%swap3A_60, %swap3A_61, %swap3A_62, %swap3A_63], %swap3A_66 {strides = array<i32>} : memref<1x12x32x1024xf32, #tpu.memory_space<vmem>>, vector<1x1x32x1024xf32>,
    %slice3A_67 = vector.extract_strided_slice %get3A_27 {offsets = [512, 0], sizes = [256, 128], strides = [1, 1]} : vector<1024x128xf32> to vector<256x128xf32>
    %slice3A_68 = vector.extract_strided_slice %slice3A_67 {offsets = [0, 0], sizes = [256, 32], strides = [1, 1]} : vector<256x128xf32> to vector<256x32xf32>
    %dot_general3A_69 = arith.constant dense<0.000000e+00> : vector<32x256xf32>
    %dot_general3A_70 = tpu.matmul %convert_element_type3A_1, %slice3A_68, %dot_general3A_69 {dimension_numbers = #tpu.dot_dimension_numbers<[1], [1], [0], [0], [0, 0, 1, 0], [], []>, precision = #tpu.contract_precision<fp32>, transpose_lhs_hint = false} : vector<32x32xf32>, vector<256x32xf32>, vector<32x256xf32> -> vector<32x256xf32>
    %slice3A_71 = vector.extract_strided_slice %slice3A_67 {offsets = [0, 32], sizes = [256, 32], strides = [1, 1]} : vector<256x128xf32> to vector<256x32xf32>
    %dot_general3A_72 = arith.constant dense<0.000000e+00> : vector<32x256xf32>
    %dot_general3A_73 = tpu.matmul %convert_element_type3A_1, %slice3A_71, %dot_general3A_72 {dimension_numbers = #tpu.dot_dimension_numbers<[1], [1], [0], [0], [0, 0, 1, 0], [], []>, precision = #tpu.contract_precision<fp32>, transpose_lhs_hint = false} : vector<32x32xf32>, vector<256x32xf32>, vector<32x256xf32> -> vector<32x256xf32>
    %slice3A_74 = vector.extract_strided_slice %slice3A_67 {offsets = [0, 64], sizes = [256, 32], strides = [1, 1]} : vector<256x128xf32> to vector<256x32xf32>
    %dot_general3A_75 = arith.constant dense<0.000000e+00> : vector<32x256xf32>
    %dot_general3A_76 = tpu.matmul %convert_element_type3A_1, %slice3A_74, %dot_general3A_75 {dimension_numbers = #tpu.dot_dimension_numbers<[1], [1], [0], [0], [0, 0, 1, 0], [], []>, precision = #tpu.contract_precision<fp32>, transpose_lhs_hint = false} : vector<32x32xf32>, vector<256x32xf32>, vector<32x256xf32> -> vector<32x256xf32>
    %slice3A_77 = vector.extract_strided_slice %slice3A_67 {offsets = [0, 96], sizes = [256, 32], strides = [1, 1]} : vector<256x128xf32> to vector<256x32xf32>
    %dot_general3A_78 = arith.constant dense<0.000000e+00> : vector<32x256xf32>
    %dot_general3A_79 = tpu.matmul %convert_element_type3A_1, %slice3A_77, %dot_general3A_78 {dimension_numbers = #tpu.dot_dimension_numbers<[1], [1], [0], [0], [0, 0, 1, 0], [], []>, precision = #tpu.contract_precision<fp32>, transpose_lhs_hint = false} : vector<32x32xf32>, vector<256x32xf32>, vector<32x256xf32> -> vector<32x256xf32>
    %concatenate3A_80 = tpu.concatenate %dot_general3A_70, %dot_general3A_73, %dot_general3A_76, %dot_general3A_79 in 1 : vector<32x256xf32>, vector<32x256xf32>, vector<32x256xf32>, vector<32x256xf32> -> vector<32x1024xf32>
    %swap3A_81 = arith.constant 0 : index
    %swap3A_82 = arith.constant 10 : index
    %swap3A_83 = arith.constant 0 : index
    %swap3A_84 = arith.constant 0 : index
    %swap3A_85 = vector.load %arg8[%swap3A_81, %swap3A_82, %swap3A_83, %swap3A_84] : memref<1x12x32x1024xf32, #tpu.memory_space<vmem>>, vector<1x1x32x1024xf32>
    %swap3A_86 = vector.shape_cast %swap3A_85 : vector<1x1x32x1024xf32> to vector<32x1024xf32>
    %swap3A_87 = vector.shape_cast %concatenate3A_80 : vector<32x1024xf32> to vector<1x1x32x1024xf32>
    tpu.vector_store %arg8[%swap3A_81, %swap3A_82, %swap3A_83, %swap3A_84], %swap3A_87 {strides = array<i32>} : memref<1x12x32x1024xf32, #tpu.memory_space<vmem>>, vector<1x1x32x1024xf32>,
    %slice3A_88 = vector.extract_strided_slice %get3A_27 {offsets = [768, 0], sizes = [256, 128], strides = [1, 1]} : vector<1024x128xf32> to vector<256x128xf32>
    %slice3A_89 = vector.extract_strided_slice %slice3A_88 {offsets = [0, 0], sizes = [256, 32], strides = [1, 1]} : vector<256x128xf32> to vector<256x32xf32>
    %dot_general3A_90 = arith.constant dense<0.000000e+00> : vector<32x256xf32>
    %dot_general3A_91 = tpu.matmul %convert_element_type3A_1, %slice3A_89, %dot_general3A_90 {dimension_numbers = #tpu.dot_dimension_numbers<[1], [1], [0], [0], [0, 0, 1, 0], [], []>, precision = #tpu.contract_precision<fp32>, transpose_lhs_hint = false} : vector<32x32xf32>, vector<256x32xf32>, vector<32x256xf32> -> vector<32x256xf32>
    %slice3A_92 = vector.extract_strided_slice %slice3A_88 {offsets = [0, 32], sizes = [256, 32], strides = [1, 1]} : vector<256x128xf32> to vector<256x32xf32>
    %dot_general3A_93 = arith.constant dense<0.000000e+00> : vector<32x256xf32>
    %dot_general3A_94 = tpu.matmul %convert_element_type3A_1, %slice3A_92, %dot_general3A_93 {dimension_numbers = #tpu.dot_dimension_numbers<[1], [1], [0], [0], [0, 0, 1, 0], [], []>, precision = #tpu.contract_precision<fp32>, transpose_lhs_hint = false} : vector<32x32xf32>, vector<256x32xf32>, vector<32x256xf32> -> vector<32x256xf32>
    %slice3A_95 = vector.extract_strided_slice %slice3A_88 {offsets = [0, 64], sizes = [256, 32], strides = [1, 1]} : vector<256x128xf32> to vector<256x32xf32>
    %dot_general3A_96 = arith.constant dense<0.000000e+00> : vector<32x256xf32>
    %dot_general3A_97 = tpu.matmul %convert_element_type3A_1, %slice3A_95, %dot_general3A_96 {dimension_numbers = #tpu.dot_dimension_numbers<[1], [1], [0], [0], [0, 0, 1, 0], [], []>, precision = #tpu.contract_precision<fp32>, transpose_lhs_hint = false} : vector<32x32xf32>, vector<256x32xf32>, vector<32x256xf32> -> vector<32x256xf32>
    %slice3A_98 = vector.extract_strided_slice %slice3A_88 {offsets = [0, 96], sizes = [256, 32], strides = [1, 1]} : vector<256x128xf32> to vector<256x32xf32>
    %dot_general3A_99 = arith.constant dense<0.000000e+00> : vector<32x256xf32>
    %dot_general3A_100 = tpu.matmul %convert_element_type3A_1, %slice3A_98, %dot_general3A_99 {dimension_numbers = #tpu.dot_dimension_numbers<[1], [1], [0], [0], [0, 0, 1, 0], [], []>, precision = #tpu.contract_precision<fp32>, transpose_lhs_hint = false} : vector<32x32xf32>, vector<256x32xf32>, vector<32x256xf32> -> vector<32x256xf32>
    %concatenate3A_101 = tpu.concatenate %dot_general3A_91, %dot_general3A_94, %dot_general3A_97, %dot_general3A_100 in 1 : vector<32x256xf32>, vector<32x256xf32>, vector<32x256xf32>, vector<32x256xf32> -> vector<32x1024xf32>
    %swap3A_102 = arith.constant 0 : index
    %swap3A_103 = arith.constant 11 : index
    %swap3A_104 = arith.constant 0 : index
    %swap3A_105 = arith.constant 0 : index
    %swap3A_106 = vector.load %arg8[%swap3A_102, %swap3A_103, %swap3A_104, %swap3A_105] : memref<1x12x32x1024xf32, #tpu.memory_space<vmem>>, vector<1x1x32x1024xf32>
    %swap3A_107 = vector.shape_cast %swap3A_106 : vector<1x1x32x1024xf32> to vector<32x1024xf32>
    %swap3A_108 = vector.shape_cast %concatenate3A_101 : vector<32x1024xf32> to vector<1x1x32x1024xf32>
    tpu.vector_store %arg8[%swap3A_102, %swap3A_103, %swap3A_104, %swap3A_105], %swap3A_108 {strides = array<i32>} : memref<1x12x32x1024xf32, #tpu.memory_space<vmem>>, vector<1x1x32x1024xf32>,
    %get3A_109 = arith.constant 0 : index
    %get3A_110 = arith.constant 0 : index
    %get3A_111 = arith.constant 0 : index
    %get3A_112 = vector.load %arg2[%get3A_109, %get3A_110, %get3A_111] : memref<1x4x1024xf32, #tpu.memory_space<vmem>>, vector<1x4x1024xf32>
    %get3A_113 = vector.shape_cast %get3A_112 : vector<1x4x1024xf32> to vector<4x1024xf32>
    %broadcast_in_dim3A_114 = vector.shape_cast %get3A_113 : vector<4x1024xf32> to vector<1x4x1024xf32>
    %get3A_115 = arith.constant 0 : index
    %get3A_116 = arith.constant 0 : index
    %get3A_117 = vector.load %arg6[%get3A_115, %get3A_116] : memref<32x4xf32, #tpu.memory_space<vmem>>, vector<32x4xf32>
    %broadcast_in_dim3A_118 = vector.shape_cast %get3A_117 : vector<32x4xf32> to vector<32x4x1xf32>
    %mul3A_119 = vector.broadcast %broadcast_in_dim3A_114 : vector<1x4x1024xf32> to vector<32x4x1024xf32>
    %mul3A_120 = vector.broadcast %broadcast_in_dim3A_118 : vector<32x4x1xf32> to vector<32x4x1024xf32>
    %mul3A_121 = arith.mulf %mul3A_119, %mul3A_120 : vector<32x4x1024xf32>
    %get3A_122 = arith.constant 0 : index
    %get3A_123 = arith.constant 0 : index
    %get3A_124 = vector.load %arg7[%get3A_122, %get3A_123] : memref<32x4xf32, #tpu.memory_space<vmem>>, vector<32x4xf32>
    %broadcast_in_dim3A_125 = vector.shape_cast %get3A_124 : vector<32x4xf32> to vector<32x4x1xf32>
    %add3A_126 = vector.broadcast %broadcast_in_dim3A_125 : vector<32x4x1xf32> to vector<32x4x1024xf32>
    %add3A_127 = arith.addf %mul3A_121, %add3A_126 : vector<32x4x1024xf32>
    %swap3A_128 = arith.constant 0 : index
    %swap3A_129 = arith.constant 0 : index
    %swap3A_130 = arith.constant 0 : index
    %swap3A_131 = arith.constant 0 : index
    %swap3A_132 = vector.load %arg9[%swap3A_128, %swap3A_129, %swap3A_130, %swap3A_131] : memref<1x32x4x1024xf32, #tpu.memory_space<vmem>>, vector<1x32x4x1024xf32>
    %swap3A_133 = vector.shape_cast %swap3A_132 : vector<1x32x4x1024xf32> to vector<32x4x1024xf32>
    %swap3A_134 = vector.shape_cast %add3A_127 : vector<32x4x1024xf32> to vector<1x32x4x1024xf32>
    tpu.vector_store %arg9[%swap3A_128, %swap3A_129, %swap3A_130, %swap3A_131], %swap3A_134 {strides = array<i32>} : memref<1x32x4x1024xf32, #tpu.memory_space<vmem>>, vector<1x32x4x1024xf32>,
    return
  }
  func.func @transform_0(%arg0: i32) -> (i32, i32, i32) {
    %c0_i32 = arith.constant 0 : i32
    %c0_i32_0 = arith.constant 0 : i32
    %c0_i32_1 = arith.constant 0 : i32
    return %arg0, %c0_i32, %c0_i32_0 : i32, i32, i32
  }
  func.func @transform_1(%arg0: i32) -> (i32, i32, i32) {
    %c0_i32 = arith.constant 0 : i32
    %c0_i32_0 = arith.constant 0 : i32
    %c0_i32_1 = arith.constant 0 : i32
    return %arg0, %c0_i32, %c0_i32_0 : i32, i32, i32
  }
  func.func @transform_2(%arg0: i32) -> (i32, i32, i32) {
    %c0_i32 = arith.constant 0 : i32
    %c0_i32_0 = arith.constant 0 : i32
    %c0_i32_1 = arith.constant 0 : i32
    return %arg0, %c0_i32, %c0_i32_0 : i32, i32, i32
  }
  func.func @transform_3(%arg0: i32) -> (i32, i32) {
    %c0_i32 = arith.constant 0 : i32
    %c0_i32_0 = arith.constant 0 : i32
    %c0_i32_1 = arith.constant 0 : i32
    return %c0_i32, %c0_i32_0 : i32, i32
  }
  func.func @transform_4(%arg0: i32) -> (i32, i32) {
    %c0_i32 = arith.constant 0 : i32
    %c0_i32_0 = arith.constant 0 : i32
    %c0_i32_1 = arith.constant 0 : i32
    return %c0_i32, %c0_i32_0 : i32, i32
  }
  func.func @transform_5(%arg0: i32) -> (i32, i32) {
    %c0_i32 = arith.constant 0 : i32
    %c0_i32_0 = arith.constant 0 : i32
    %c0_i32_1 = arith.constant 0 : i32
    return %c0_i32, %c0_i32_0 : i32, i32
  }
  func.func @transform_6(%arg0: i32) -> (i32, i32) {
    %c0_i32 = arith.constant 0 : i32
    %c0_i32_0 = arith.constant 0 : i32
    %c0_i32_1 = arith.constant 0 : i32
    return %c0_i32, %c0_i32_0 : i32, i32
  }
  func.func @transform_7(%arg0: i32) -> (i32, i32, i32, i32) {
    %c0_i32 = arith.constant 0 : i32
    %c0_i32_0 = arith.constant 0 : i32
    %c0_i32_1 = arith.constant 0 : i32
    %c0_i32_2 = arith.constant 0 : i32
    return %arg0, %c0_i32, %c0_i32_0, %c0_i32_1 : i32, i32, i32, i32
  }
  func.func @transform_8(%arg0: i32) -> (i32, i32, i32, i32) {
    %c0_i32 = arith.constant 0 : i32
    %c0_i32_0 = arith.constant 0 : i32
    %c0_i32_1 = arith.constant 0 : i32
    %c0_i32_2 = arith.constant 0 : i32
    return %arg0, %c0_i32, %c0_i32_0, %c0_i32_1 : i32, i32, i32, i32
  }
}

</mosaic_0001>

<sc_bundles>
// kernel: kernel.5.cloned.1.call-start
scs
__scs_entry_jumppad:
0x0: {  	(pc) =	sbr.rel $0x88, $3  }
0x1: {  	(tag) =	ssettag $0x0;
	lr =	simm.s32 $0x1  }
0x2: {  	[smem:$0x3F97] =	sst lr;
	_ =	strace $0xD0000000  }
0x3: {  	_ = 	snop  }
0x4: {  	_ = 	snop  }
0x5: {  	_ = 	snop  }
0x6: {  	_ = 	snop  }
0x7: {  	_ = 	snop  }
__scs_overlays_trampoline_lowered:
0x8: {  	[smem:$0x3FA6] =	sst s0  }
0x9: {  	[smem:$0x3FA7] =	sst s1  }
0xa: {  	[smem:$0x3FA8] =	sst s2  }
0xb: {  	[smem:$0x3FA9] =	sst s3  }
0xc: {  	[smem:$0x3FAA] =	sst s4  }
0xd: {  	[smem:$0x3FAB] =	sst s5  }
0xe: {  	[smem:$0x3FAC] =	sst s6  }
0xf: {  	[smem:$0x3FAD] =	sst s7  }
0x10: {  	[smem:$0x3FAE] =	sst s8  }
0x11: {  	[smem:$0x3FAF] =	sst s9;
	s0 =	simm.s32 @!p0 $0x0  }
0x12: {  	s1 =	sld [smem:$0x3F95];
	s0 =	simm.s32 @p0 $0x1  }
0x13: {  	[smem:$0x3FB0] =	sst s0;
	s0 =	simm.s32 @!p1 $0x0  }
0x14: {  	s2 =	sld [smem:$0x3F94];
	s0 =	simm.s32 @p1 $0x1  }
0x15: {  	[smem:$0x3FB1] =	sst s0;
	s0 =	simm.s32 @!p2 $0x0  }
0x16: {  	s3 =	sld [smem:$0x3FDB];
	s0 =	simm.s32 @p2 $0x1  }
0x17: {  	s4 =	simm.s32 $0x1BF5;
	[smem:$0x3FB3] =	sst s0  }
0x18: {  	s0 =	sld [smem:$0x3F96];
	_ =	swait.ge [sflag:s4], $0x0  }
0x19: {  	s7 =	sld [smem:$0x3F97]  }
0x1a: {  	s8 =	sadd.s32 $0xFFFFE003, lr  }
0x1b: {  	s9 =	sadd.s32 $0xFFFFFEF7, lr;
	s5 =	simm.s32 $0xFFFFFFFF;
	p2 =	slt.u32 s8, $0xFFFFF086  }
0x1c: {  	p1 =	slt.u32 s9, $0xF7A;
	s5 =	simm.s32 @!p2 $0x0  }
0x1d: {  	s5 =	simm.s32 @p1 $0x1;
	p0 =	seq.s32 s7, s2  }
0x1e: {  	s7 =	smul.u32 @!p0 $0xF7A, s2;
	p2 =	seq.s32 @!p0 s5, $0x0  }
0x1f: {  	s9 =	smul.u32 $0xF7A, s1;
	s8 =	simm.s32 @!p0 $0x1BF5;
	p2 =	por !p2, p0  }
0x20: {  	[sflag:s8] =	ssyncset.s32 @!p0 $0xFFFFF086;
	s6 =	sadd.s32 @!p0 s3, s7;
	s7 =	simm.s32 @!p0 $0x108  }
0x21: {  	s3 =	sadd.s32 s3, s9;
	s6 =	sadd.s32 @!p0 $0x88, s6;
	s7 =	simm.s32 @p2 $0x1082  }
0x22: {  	[simem:s7], [sflag:s8] =	dma.local @!p0 [hbm:s6], $0xF7A  }
0x23: {  	s9 =	sor.u32 $0xD0000000, s2;
	s6 =	simm.s32 $0x108;
	_ =	swait.ge @!p0 [sflag:s8], $0x0  }
0x24: {  	s3 =	sadd.s32 $0x88, s3;
	s6 =	simm.s32 @!p1 $0x1082;
	[sflag:s4] =	ssyncset.s32 $0xFFFFF086  }
0x25: {  	[simem:s6], [sflag:s4] =	dma.local [hbm:s3], $0xF7A  }
0x26: {  	[smem:$0x3F97] =	sst s1;
	(tag) =	ssettag s2;
	_ =	strace s9  }
0x27: {  	s1 =	sld [smem:$0x3FA7]  }
0x28: {  	s2 =	sld [smem:$0x3FA8]  }
0x29: {  	s4 =	sld [smem:$0x3FAA]  }
0x2a: {  	p0 =	seq.s32 s5, $0x0;
	s5 =	sld [smem:$0x3FAB]  }
0x2b: {  	s6 =	sld [smem:$0x3FAC]  }
0x2c: {  	s7 =	sld [smem:$0x3FAD]  }
0x2d: {  	s3 =	simm.s32 $0x108;
	s8 =	sld [smem:$0x3FAE]  }
0x2e: {  	s3 =	simm.s32 @!p0 $0x1082;
	s9 =	sld [smem:$0x3FAF]  }
0x2f: {  	lr =	sadd.s32 s0, s3;
	s0 =	sld [smem:$0x3FA6]  }
0x30: {  	s3 =	sld [smem:$0x3FA9]  }
0x31: {  	[smem:$0x3FB2] =	sst s10  }
0x32: {  	s10 =	sld [smem:$0x3FB0];
	_ =	sdelay $0x3  }
0x33: {  	p0 =	seq.s32 s10, $0x1;
	s10 =	sld [smem:$0x3FB2];
	_ =	sdelay $0x3  }
0x34: {  	[smem:$0x3FB2] =	sst s10  }
0x35: {  	s10 =	sld [smem:$0x3FB1];
	_ =	sdelay $0x3  }
0x36: {  	p1 =	seq.s32 s10, $0x1;
	s10 =	sld [smem:$0x3FB2];
	_ =	sdelay $0x3  }
0x37: {  	[smem:$0x3FB2] =	sst s10  }
0x38: {  	s10 =	sld [smem:$0x3FB3]  }
0x39: {  	_ = 	snop;
	(pc) =	sbr.ind lr, $3  }
0x3a: {  	_ = 	snop  }
0x3b: {  	_ = 	snop  }
0x3c: {  	p2 =	seq.s32 s10, $0x1;
	s10 =	sld [smem:$0x3FB2]  }
0x3d: {  	_ =	shalt  }
0x3e: {  	_ =	shalt  }
0x3f: {  	_ =	shalt  }
0x40: {  	_ =	shalt  }
0x41: {  	_ =	shalt  }
0x42: {  	_ =	shalt  }
0x43: {  	_ =	shalt  }
0x44: {  	_ =	shalt  }
0x45: {  	_ =	shalt  }
0x46: {  	_ =	shalt  }
0x47: {  	_ =	shalt  }
0x48: {  	_ =	shalt  }
0x49: {  	_ =	shalt  }
0x4a: {  	_ =	shalt  }
0x4b: {  	_ =	shalt  }
0x4c: {  	_ =	shalt  }
0x4d: {  	_ =	shalt  }
0x4e: {  	_ =	shalt  }
0x4f: {  	_ =	shalt  }
0x50: {  	_ =	shalt  }
0x51: {  	_ =	shalt  }
0x52: {  	_ =	shalt  }
0x53: {  	_ =	shalt  }
0x54: {  	_ =	shalt  }
0x55: {  	_ =	shalt  }
0x56: {  	_ =	shalt  }
0x57: {  	_ =	shalt  }
0x58: {  	_ =	shalt  }
0x59: {  	_ =	shalt  }
0x5a: {  	_ =	shalt  }
0x5b: {  	_ =	shalt  }
0x5c: {  	_ =	shalt  }
0x5d: {  	_ =	shalt  }
0x5e: {  	_ =	shalt  }
0x5f: {  	_ =	shalt  }
0x60: {  	_ =	shalt  }
0x61: {  	_ =	shalt  }
0x62: {  	_ =	shalt  }
0x63: {  	_ =	shalt  }
0x64: {  	_ =	shalt  }
0x65: {  	_ =	shalt  }
0x66: {  	_ =	shalt  }
0x67: {  	_ =	shalt  }
0x68: {  	_ =	shalt  }
0x69: {  	_ =	shalt  }
0x6a: {  	_ =	shalt  }
0x6b: {  	_ =	shalt  }
0x6c: {  	_ =	shalt  }
0x6d: {  	_ =	shalt  }
0x6e: {  	_ =	shalt  }
0x6f: {  	_ =	shalt  }
0x70: {  	_ =	shalt  }
0x71: {  	_ =	shalt  }
0x72: {  	_ =	shalt  }
0x73: {  	_ =	shalt  }
0x74: {  	_ =	shalt  }
0x75: {  	_ =	shalt  }
0x76: {  	_ =	shalt  }
0x77: {  	_ =	shalt  }
0x78: {  	_ =	shalt  }
0x79: {  	_ =	shalt  }
0x7a: {  	_ =	shalt  }
0x7b: {  	_ =	shalt  }
0x7c: {  	_ =	shalt  }
0x7d: {  	_ =	shalt  }
0x7e: {  	_ =	shalt  }
0x7f: {  	_ =	shalt  }
0x80: {  	_ =	shalt  }
0x81: {  	_ =	shalt  }
0x82: {  	_ =	shalt  }
0x83: {  	_ =	shalt  }
0x84: {  	_ =	shalt  }
0x85: {  	_ =	shalt  }
0x86: {  	_ =	shalt  }
0x87: {  	_ =	shalt  }
.Lfunc_end0:
.L_simem_size_0:
called_computation_lowered:
.L_overlay_start_0:
0x88: {  	s2 =	sld [smem:$0x3FD9]  }
0x89: {  	s3 =	sld [smem:$0x3FFE];
	_ =	sdelay $0x1  }
0x8a: {  	s1 =	srdreg.scid  }
0x8b: {  	s0 =	sand.u32 $0x1, s1  }
0x8c: {  	s14 =	sshll.u32 s0, $0xA;
	s2 =	sadd.s32 s3, s2  }
0x8d: {  	s2 =	sadd.s32 s2, s14  }
0x8e: {  	[smem:$0x3FBE] =	sst s2  }
0x8f: {  	_ = 	snop  }
0x90: {  	s2 =	sld [smem:$0x3FD0];
	_ =	sdelay $0x2  }
0x91: {  	s15 =	simm.s32 $0xA;
	s4 =	simm.s32 $0x10  }
0x92: {  	[smem:s4], [sflag:s15] =	dma.local [hbm:s2], $0x1  }
0x93: {  	_ =	swait.eq [sflag:s15], $0x1  }
0x94: {  	s16 =	sld [smem:$0x10];
	[sflag:s15] =	ssyncset.done $0x0  }
0x95: {  	s17 =	sld [smem:$0x11];
	[sflag:s15] =	ssyncadd.s32 $0xFFFFFFFF  }
0x96: {  	s18 =	sld [smem:$0x12];
	(tm) =	ssettm $0x1  }
0x97: {  	s5 =	sld [smem:$0x3FFB];
	_ =	sdelay $0x3  }
0x98: {  	_ =	strace s5  }
0x99: {  	s5 =	sld [smem:$0x3FFC];
	_ =	sdelay $0x3  }
0x9a: {  	_ =	strace s5  }
0x9b: {  	s5 =	sld [smem:$0x3FFD];
	_ =	sdelay $0x3  }
0x9c: {  	_ =	strace s5  }
0x9d: {  	_ =	strace $0x8FFFFFFF  }
0x9e: {  	s19 =	sld [smem:$0x3FDB];
	_ =	sdelay $0x1  }
0x9f: {  	s6 =	simm.s32 $_scs_section_size  }
0xa0: {  	s7 =	simm.s32 $_size__tile_overlayer_lowered;
	s8 =	simm.s32 $_tile_overlayer_lowered  }
0xa1: {  	s22 =	simm.s32 $0x1BFF;
	s21 =	sshll.u32 s8, $0x1;
	s5 =	sadd.s32 s6, s19  }
0xa2: {  	s9 =	simm.s32 $0x0;
	s20 =	sshll.u32 s7, $0x1;
	s7 =	sadd.s32 s21, s5  }
0xa3: {  	[timem:s9], [sflag:s22] =	dma.local [hbm:s7], s20  }
0xa4: {  	_ =	swait.ge [sflag:s22], s20  }
0xa5: {  	s6 =	ssub.s32 $0x0, s20;
	[sflag:s22] =	ssyncset.done $0x0  }
0xa6: {  	[sflag:s22] =	ssyncadd.s32 s6;
	_ =	sdelay $0x1  }
0xa7: {  	s23 =	simm.s32 $0x1B8B  }
0xa8: {  	_ =	swait.ge [sflag:s23], $0x1  }
0xa9: {  	[sflag:s23] =	ssyncset.done $0x0  }
0xaa: {  	s25 =	simm.s32 $0x1B8E;
	s24 =	sld [smem:$0x3FFE];
	[sflag:s23] =	ssyncadd.s32 $0xFFFFFFFF  }
0xab: {  	s26 =	simm.s32 $execute0_lowered;
	[smem:$0x3FD2] =	sst s25  }
0xac: {  	s7 =	sshll.u32 s26, $0x1;
	_ =	strace $0x80000046;
	[dreg:$0x1] =	wrdreg $0xFFFFFFFF  }
0xad: {  	s28 =	simm.s32 $_size_execute0_lowered;
	s5 =	sadd.s32 s5, s7;
	[dreg:$0x0] =	wrdreg $0x0  }
0xae: {  	s7 =	sshll.u32 s28, $0x1;
	[dreg:$0x2] =	wrdreg s5  }
0xaf: {  	[dreg:$0x3] =	wrdreg s7  }
0xb0: {  	[dreg:$0x4] =	wrdreg $0xC0  }
0xb1: {  	_ =	task [dreg:s9], $0x5FFFF  }
0xb2: {  	[dreg:$0x1] =	wrdreg $0xFFFFFFFF  }
0xb3: {  	[dreg:$0x0] =	wrdreg $0x60  }
0xb4: {  	[dreg:$0x2] =	wrdreg s24  }
0xb5: {  	[dreg:$0x3] =	wrdreg s17  }
0xb6: {  	[dreg:$0x4] =	wrdreg s18  }
0xb7: {  	[dreg:$0x5] =	wrdreg s16  }
0xb8: {  	[dreg:$0x6] =	wrdreg $0x9  }
0xb9: {  	_ =	task.clear_ibuf [dreg:s9], $0x7FFFF;
	_ =	strace $0x90000046  }
0xba: {  	s29 =	simm.s32 $0x9;
	_ =	strace $0x80000048  }
0xbb: {  	_ =	swait.ge [sflag:s29], $0x1  }
0xbc: {  	[sflag:s29] =	ssyncadd.s32 $0xFFFFFFFF  }
0xbd: {  	_ =	strace $0x90000048  }
0xbe: {  	_ =	sfence  }
0xbf: {  	s30 =	sld [smem:$0x0];
	_ =	sdelay $0x2  }
0xc0: {  	s31 =	sshll.u32 s1, $0xD;
	s1 =	sshrl.u32 s1, $0x2  }
0xc1: {  	s3 =	sand.u32 $0x4000, s31;
	s1 =	sadd.s32 s1, s30  }
0xc2: {  	s0 =	sor.u32 s3, s0;
	s1 =	sshll.u32 s1, $0x11  }
0xc3: {  	s0 =	sor.u32 s1, s0  }
0xc4: {  	s0 =	sadd.s32 $0x8F2B, s0  }
0xc5: {  	[sflag:s0] =	ssyncadd.remote.s32 $0x1  }
0xc6: {  	_ =	sfence.sel $0xFFFF  }
0xc7: {  	[dreg:$0x0] =	wrdreg $0xFFFFFFFF;
	(pc) =	sbr.abs _section_cstart, $3  }
0xc8: {  	[dreg:$0x1] =	wrdreg $0xFFFFFFFF  }
0xc9: {  	_ =	task.clear_ibuf [dreg:s9], $0x2FFFF;
	_ =	strace $0x9FFFFFFF  }
0xca: {  	(tm) =	ssettm $0x7FFFFFFF  }
0xcb: {  	_ =	shalt  }
tec
execute0_lowered:
.L_overlay_start_1:
0x0: {  	(tag) =	ssettag $0x1  }
0x1: {  	s0 =	rddreg [dreg:$0x0]  }
0x2: {  	s1 =	rddreg [dreg:$0x1]  }
0x3: {  	s6 =	rddreg [dreg:$0x2]  }
0x4: {  	s7 =	rddreg [dreg:$0x3]  }
0x5: {  	s2 =	srdreg.scid;
	s3 =	simm.s32 $0x0;
	s29 =	stileid.u32  }
0x6: {  	s13 =	simm.s32 $0x1A00;
	s14 =	simm.s32 $0x2A00;
	s15 =	simm.s32 $0x1  }
0x7: {  	s16 =	simm.s32 $0x3A00;
	s17 =	simm.s32 $0x4A00;
	s18 =	simm.s32 $0x5A00  }
0x8: {  	s19 =	simm.s32 $0x6A00;
	s20 =	simm.s32 $0x7A00;
	s21 =	simm.s32 $0x8A00  }
0x9: {  	s22 =	simm.s32 $0x9A00;
	s23 =	simm.s32 $0xAA00;
	s24 =	simm.s32 $0xBA00  }
0xa: {  	s25 =	simm.s32 $0xCA00;
	s26 =	simm.s32 $0x0;
	s5 =	sand.u32 $0x1, s2  }
0xb: {  	[smem:$0x7FF] =	sst s3;
	s4 =	sadd.s32 $0xC37000, s0;
	s31 =	smul.u32 $0x6400, s29  }
0xc: {  	s8 =	sshll.u32 s5, $0x4;
	s10 =	smul.u32 $0x64000, s5;
	s5 =	ssub.s32 $0x2, s5  }
0xd: {  	_ =	strace $0x80000047;
	s8 =	sor.u32 s29, s8;
	s11 =	sshrl.u32 s5, $0x1  }
0xe: {  	s9 =	sshll.u32 s8, $0x5;
	s12 =	smul.u32 $0x320, s8;
	s30 =	ssub.s32 s5, s11  }
0xf: {  	s8 =	sshll.u32 s8, $0xA;
	s11 =	simm.s32 $0x100;
	s9 =	sadd.s32 s9, s0  }
0x10: {  	s0 =	sadd.s32 s10, s0;
	s7 =	sadd.s32 s7, s8;
	s8 =	smax.u32 s30, $0x1  }
0x11: {  	s10 =	simm.s32 $0x2;
	s5 =	sadd.s32 $0x2000, s9;
	s0 =	sadd.s32 s31, s0  }
0x12: {  	s6 =	sadd.s32 s6, s12;
	s12 =	simm.s32 $0x80;
	s9 =	sadd.s32 $0x2400, s0  }
.LBB2_1:
0x13: {  	[tilespmem:s3], [sflag:$0x2] =	stream.linear.gather [hbm4b:s5+s3], $0x100, $0x38;
	[tilespmem:$0xDA00] =	vst v63  }
0x14: {  	_ =	swait.ge [sflag:s10], $0x100  }
0x15: {  	[sflag:s10] =	ssyncset.done $0x0  }
0x16: {  	[sflag:s10] =	ssyncadd.s32 $0xFFFFFF00  }
0x17: {  	[tilespmem:s11], [sflag:$0x2] =	stream.linear.gather [hbm4b:s6+s3], $0x1900, $0x38;
	[tilespmem:$0xDA00] =	vst v63  }
0x18: {  	_ =	swait.ge [sflag:s10], $0x1900  }
0x19: {  	[sflag:s10] =	ssyncset.done $0x0  }
0x1a: {  	[sflag:s10] =	ssyncadd.s32 $0xFFFFE700  }
0x1b: {  	[tilespmem:s13], [sflag:$0x1] =	stream.indirect.gather [hbm4b:s4+s12], $0x20, s3, s12, $0xb8;
	[tilespmem:$0xDA00] =	vst v63  }
0x1c: {  	_ = 	snop  }
0x1d: {  	[tilespmem:s14], [sflag:$0x1] =	stream.indirect.gather [hbm4b:s4+s12], $0x20, s12, s12, $0xb8;
	[tilespmem:$0xDA00] =	vst v63  }
0x1e: {  	_ =	swait.ge [sflag:s15], $0x1000  }
0x1f: {  	[sflag:s15] =	ssyncset.done $0x0  }
0x20: {  	[sflag:s15] =	ssyncadd.s32 $0xFFFFF000  }
0x21: {  	_ =	swait.ge [sflag:s15], $0x1000  }
0x22: {  	[sflag:s15] =	ssyncset.done $0x0  }
0x23: {  	[sflag:s15] =	ssyncadd.s32 $0xFFFFF000  }
0x24: {  	[hbm4b:s7+s3] =	stream.linear.scatter [tilespmem:s13], [sflag:$0x2], $0x2000, $0x38;
	[tilespmem:$0xDA00] =	vst v63  }
0x25: {  	_ =	swait.ge [sflag:s10], $0x2000  }
0x26: {  	[sflag:s10] =	ssyncset.done $0x0  }
0x27: {  	s0 =	simm.s32 $0x100;
	[sflag:s10] =	ssyncadd.s32 $0xFFFFE000  }
0x28: {  	[tilespmem:s16], [sflag:$0x1] =	stream.indirect.gather [hbm4b:s1+s12], $0x20, s0, s12, $0xb8;
	[tilespmem:$0xDA00] =	vst v63  }
0x29: {  	s2 =	simm.s32 $0x180  }
0x2a: {  	[tilespmem:s17], [sflag:$0x1] =	stream.indirect.gather [hbm4b:s1+s12], $0x20, s2, s12, $0xb8;
	[tilespmem:$0xDA00] =	vst v63  }
0x2b: {  	s30 =	simm.s32 $0x200  }
0x2c: {  	[tilespmem:s18], [sflag:$0x1] =	stream.indirect.gather [hbm4b:s1+s12], $0x20, s30, s12, $0xb8;
	[tilespmem:$0xDA00] =	vst v63  }
0x2d: {  	s2 =	simm.s32 $0x280  }
0x2e: {  	[tilespmem:s19], [sflag:$0x1] =	stream.indirect.gather [hbm4b:s1+s12], $0x20, s2, s12, $0xb8;
	[tilespmem:$0xDA00] =	vst v63  }
0x2f: {  	s30 =	simm.s32 $0x300  }
0x30: {  	[tilespmem:s20], [sflag:$0x1] =	stream.indirect.gather [hbm4b:s1+s12], $0x20, s30, s12, $0xb8;
	[tilespmem:$0xDA00] =	vst v63  }
0x31: {  	s2 =	simm.s32 $0x380  }
0x32: {  	[tilespmem:s21], [sflag:$0x1] =	stream.indirect.gather [hbm4b:s1+s12], $0x20, s2, s12, $0xb8;
	[tilespmem:$0xDA00] =	vst v63  }
0x33: {  	s30 =	simm.s32 $0x400  }
0x34: {  	[tilespmem:s22], [sflag:$0x1] =	stream.indirect.gather [hbm4b:s1+s12], $0x20, s30, s12, $0xb8;
	[tilespmem:$0xDA00] =	vst v63  }
0x35: {  	s2 =	simm.s32 $0x480  }
0x36: {  	[tilespmem:s23], [sflag:$0x1] =	stream.indirect.gather [hbm4b:s1+s12], $0x20, s2, s12, $0xb8;
	[tilespmem:$0xDA00] =	vst v63  }
0x37: {  	s30 =	simm.s32 $0x500  }
0x38: {  	[tilespmem:s24], [sflag:$0x1] =	stream.indirect.gather [hbm4b:s1+s12], $0x20, s30, s12, $0xb8;
	[tilespmem:$0xDA00] =	vst v63  }
0x39: {  	s2 =	simm.s32 $0x580  }
0x3a: {  	[tilespmem:s25], [sflag:$0x1] =	stream.indirect.gather [hbm4b:s1+s12], $0x20, s2, s12, $0xb8;
	[tilespmem:$0xDA00] =	vst v63  }
0x3b: {  	_ =	swait.ge [sflag:s15], $0x1000  }
0x3c: {  	[sflag:s15] =	ssyncset.done $0x0  }
0x3d: {  	[sflag:s15] =	ssyncadd.s32 $0xFFFFF000  }
0x3e: {  	_ =	swait.ge [sflag:s15], $0x1000  }
0x3f: {  	[sflag:s15] =	ssyncset.done $0x0  }
0x40: {  	[sflag:s15] =	ssyncadd.s32 $0xFFFFF000  }
0x41: {  	_ =	swait.ge [sflag:s15], $0x1000  }
0x42: {  	[sflag:s15] =	ssyncset.done $0x0  }
0x43: {  	[sflag:s15] =	ssyncadd.s32 $0xFFFFF000  }
0x44: {  	_ =	swait.ge [sflag:s15], $0x1000  }
0x45: {  	[sflag:s15] =	ssyncset.done $0x0  }
0x46: {  	[sflag:s15] =	ssyncadd.s32 $0xFFFFF000  }
0x47: {  	_ =	swait.ge [sflag:s15], $0x1000  }
0x48: {  	[sflag:s15] =	ssyncset.done $0x0  }
0x49: {  	[sflag:s15] =	ssyncadd.s32 $0xFFFFF000  }
0x4a: {  	_ =	swait.ge [sflag:s15], $0x1000  }
0x4b: {  	[sflag:s15] =	ssyncset.done $0x0  }
0x4c: {  	[sflag:s15] =	ssyncadd.s32 $0xFFFFF000  }
0x4d: {  	_ =	swait.ge [sflag:s15], $0x1000  }
0x4e: {  	[sflag:s15] =	ssyncset.done $0x0  }
0x4f: {  	[sflag:s15] =	ssyncadd.s32 $0xFFFFF000  }
0x50: {  	_ =	swait.ge [sflag:s15], $0x1000  }
0x51: {  	[sflag:s15] =	ssyncset.done $0x0  }
0x52: {  	[sflag:s15] =	ssyncadd.s32 $0xFFFFF000  }
0x53: {  	_ =	swait.ge [sflag:s15], $0x1000  }
0x54: {  	[sflag:s15] =	ssyncset.done $0x0  }
0x55: {  	[sflag:s15] =	ssyncadd.s32 $0xFFFFF000  }
0x56: {  	_ =	swait.ge [sflag:s15], $0x1000  }
0x57: {  	[sflag:s15] =	ssyncset.done $0x0  }
0x58: {  	s30 =	sadd.s32 $0x0, s9;
	[sflag:s15] =	ssyncadd.s32 $0xFFFFF000  }
0x59: {  	[hbm4b:s30+s3] =	stream.linear.scatter [tilespmem:s16], [sflag:$0x2], $0xA000, $0x38;
	[tilespmem:$0xDA00] =	vst v63  }
0x5a: {  	s28 =	simm.s32 $0x1400;
	_ =	swait.ge [sflag:s10], $0xA000  }
0x5b: {  	s29 =	simm.s32 $0x2800;
	s31 =	simm.s32 $0x500;
	[sflag:s10] =	ssyncset.done $0x0  }
.LBB2_2:
0x5c: {  	s2 =	sadd.s32 $0x100, s31  }
0x5d: {  	[sflag:s10] =	ssyncadd.s32 $0xFFFF6000;
	s30 =	smov.u32 s29;
	s0 =	sadd.s32 $0x1400, s29  }
0x5e: {  	[tilespmem:s16], [sflag:$0x1] =	stream.indirect.gather [hbm4b:s1+s12], $0x20, s2, s12, $0xb8;
	[tilespmem:$0xDA00] =	vst v63  }
0x5f: {  	p0 =	sne.s32 s29, $0x5000;
	s2 =	sadd.s32 $0x180, s31  }
0x60: {  	[tilespmem:s17], [sflag:$0x1] =	stream.indirect.gather [hbm4b:s1+s12], $0x20, s2, s12, $0xb8;
	[tilespmem:$0xDA00] =	vst v63  }
0x61: {  	s2 =	sadd.s32 $0x200, s31  }
0x62: {  	[tilespmem:s18], [sflag:$0x1] =	stream.indirect.gather [hbm4b:s1+s12], $0x20, s2, s12, $0xb8;
	[tilespmem:$0xDA00] =	vst v63  }
0x63: {  	s2 =	sadd.s32 $0x280, s31  }
0x64: {  	[tilespmem:s19], [sflag:$0x1] =	stream.indirect.gather [hbm4b:s1+s12], $0x20, s2, s12, $0xb8;
	[tilespmem:$0xDA00] =	vst v63  }
0x65: {  	s2 =	sadd.s32 $0x300, s31  }
0x66: {  	[tilespmem:s20], [sflag:$0x1] =	stream.indirect.gather [hbm4b:s1+s12], $0x20, s2, s12, $0xb8;
	[tilespmem:$0xDA00] =	vst v63  }
0x67: {  	s2 =	sadd.s32 $0x380, s31  }
0x68: {  	[tilespmem:s21], [sflag:$0x1] =	stream.indirect.gather [hbm4b:s1+s12], $0x20, s2, s12, $0xb8;
	[tilespmem:$0xDA00] =	vst v63  }
0x69: {  	s2 =	sadd.s32 $0x400, s31  }
0x6a: {  	[tilespmem:s22], [sflag:$0x1] =	stream.indirect.gather [hbm4b:s1+s12], $0x20, s2, s12, $0xb8;
	[tilespmem:$0xDA00] =	vst v63  }
0x6b: {  	s2 =	sadd.s32 $0x480, s31  }
0x6c: {  	[tilespmem:s23], [sflag:$0x1] =	stream.indirect.gather [hbm4b:s1+s12], $0x20, s2, s12, $0xb8;
	[tilespmem:$0xDA00] =	vst v63  }
0x6d: {  	s2 =	sadd.s32 $0x500, s31  }
0x6e: {  	[tilespmem:s24], [sflag:$0x1] =	stream.indirect.gather [hbm4b:s1+s12], $0x20, s2, s12, $0xb8;
	[tilespmem:$0xDA00] =	vst v63  }
0x6f: {  	s2 =	sadd.s32 $0x580, s31  }
0x70: {  	[tilespmem:s25], [sflag:$0x1] =	stream.indirect.gather [hbm4b:s1+s12], $0x20, s2, s12, $0xb8;
	[tilespmem:$0xDA00] =	vst v63  }
0x71: {  	_ =	swait.ge [sflag:s15], $0x1000  }
0x72: {  	[sflag:s15] =	ssyncset.done $0x0  }
0x73: {  	[sflag:s15] =	ssyncadd.s32 $0xFFFFF000  }
0x74: {  	_ =	swait.ge [sflag:s15], $0x1000  }
0x75: {  	[sflag:s15] =	ssyncset.done $0x0  }
0x76: {  	[sflag:s15] =	ssyncadd.s32 $0xFFFFF000  }
0x77: {  	_ =	swait.ge [sflag:s15], $0x1000  }
0x78: {  	[sflag:s15] =	ssyncset.done $0x0  }
0x79: {  	[sflag:s15] =	ssyncadd.s32 $0xFFFFF000  }
0x7a: {  	_ =	swait.ge [sflag:s15], $0x1000  }
0x7b: {  	[sflag:s15] =	ssyncset.done $0x0  }
0x7c: {  	[sflag:s15] =	ssyncadd.s32 $0xFFFFF000  }
0x7d: {  	_ =	swait.ge [sflag:s15], $0x1000  }
0x7e: {  	[sflag:s15] =	ssyncset.done $0x0  }
0x7f: {  	[sflag:s15] =	ssyncadd.s32 $0xFFFFF000  }
0x80: {  	_ =	swait.ge [sflag:s15], $0x1000  }
0x81: {  	[sflag:s15] =	ssyncset.done $0x0  }
0x82: {  	[sflag:s15] =	ssyncadd.s32 $0xFFFFF000  }
0x83: {  	_ =	swait.ge [sflag:s15], $0x1000  }
0x84: {  	[sflag:s15] =	ssyncset.done $0x0  }
0x85: {  	[sflag:s15] =	ssyncadd.s32 $0xFFFFF000  }
0x86: {  	_ =	swait.ge [sflag:s15], $0x1000  }
0x87: {  	[sflag:s15] =	ssyncset.done $0x0  }
0x88: {  	[sflag:s15] =	ssyncadd.s32 $0xFFFFF000  }
0x89: {  	_ =	swait.ge [sflag:s15], $0x1000  }
0x8a: {  	[sflag:s15] =	ssyncset.done $0x0  }
0x8b: {  	[sflag:s15] =	ssyncadd.s32 $0xFFFFF000  }
0x8c: {  	_ =	swait.ge [sflag:s15], $0x1000  }
.Ltmp0:
0x8d: {  	[sflag:s15] =	ssyncset.done $0x0;
	(pc) =	sbr.rel @p0 .LBB2_2-.Ltmp0, $4  }
0x8e: {  	s2 =	sadd.s32 s28, s9;
	s28 =	smov.u32 s30;
	[sflag:s15] =	ssyncadd.s32 $0xFFFFF000  }
0x8f: {  	[hbm4b:s2+s3] =	stream.linear.scatter [tilespmem:s16], [sflag:$0x2], $0xA000, $0x38;
	[tilespmem:$0xDA00] =	vst v63  }
0x90: {  	_ =	swait.ge [sflag:s10], $0xA000  }
0x91: {  	s29 =	smov.u32 s0;
	s31 =	sshra.s32 s28, $0x2;
	[sflag:s10] =	ssyncset.done $0x0  }
0x92: {  	s0 =	sadd.s32 $0x100, s31;
	[sflag:s10] =	ssyncadd.s32 $0xFFFF6000  }
0x93: {  	[tilespmem:s16], [sflag:$0x1] =	stream.indirect.gather [hbm4b:s1+s12], $0x20, s0, s12, $0xb8;
	[tilespmem:$0xDA00] =	vst v63  }
0x94: {  	s2 =	sadd.s32 $0x180, s31  }
0x95: {  	[tilespmem:s17], [sflag:$0x1] =	stream.indirect.gather [hbm4b:s1+s12], $0x20, s2, s12, $0xb8;
	[tilespmem:$0xDA00] =	vst v63  }
0x96: {  	s29 =	sadd.s32 $0x200, s31  }
0x97: {  	[tilespmem:s18], [sflag:$0x1] =	stream.indirect.gather [hbm4b:s1+s12], $0x20, s29, s12, $0xb8;
	[tilespmem:$0xDA00] =	vst v63  }
0x98: {  	s30 =	sadd.s32 $0x280, s31  }
0x99: {  	[tilespmem:s19], [sflag:$0x1] =	stream.indirect.gather [hbm4b:s1+s12], $0x20, s30, s12, $0xb8;
	[tilespmem:$0xDA00] =	vst v63  }
0x9a: {  	s2 =	sadd.s32 $0x300, s31  }
0x9b: {  	[tilespmem:s20], [sflag:$0x1] =	stream.indirect.gather [hbm4b:s1+s12], $0x20, s2, s12, $0xb8;
	[tilespmem:$0xDA00] =	vst v63  }
0x9c: {  	s29 =	sadd.s32 $0x380, s31  }
0x9d: {  	[tilespmem:s21], [sflag:$0x1] =	stream.indirect.gather [hbm4b:s1+s12], $0x20, s29, s12, $0xb8;
	[tilespmem:$0xDA00] =	vst v63  }
0x9e: {  	s30 =	sadd.s32 $0x400, s31  }
0x9f: {  	[tilespmem:s22], [sflag:$0x1] =	stream.indirect.gather [hbm4b:s1+s12], $0x20, s30, s12, $0xb8;
	[tilespmem:$0xDA00] =	vst v63  }
0xa0: {  	s2 =	sadd.s32 $0x480, s31  }
0xa1: {  	[tilespmem:s23], [sflag:$0x1] =	stream.indirect.gather [hbm4b:s1+s12], $0x20, s2, s12, $0xb8;
	[tilespmem:$0xDA00] =	vst v63  }
0xa2: {  	s29 =	sadd.s32 $0x500, s31  }
0xa3: {  	[tilespmem:s24], [sflag:$0x1] =	stream.indirect.gather [hbm4b:s1+s12], $0x20, s29, s12, $0xb8;
	[tilespmem:$0xDA00] =	vst v63  }
0xa4: {  	s30 =	sadd.s32 $0x580, s31  }
0xa5: {  	[tilespmem:s25], [sflag:$0x1] =	stream.indirect.gather [hbm4b:s1+s12], $0x20, s30, s12, $0xb8;
	[tilespmem:$0xDA00] =	vst v63  }
0xa6: {  	_ =	swait.ge [sflag:s15], $0x1000  }
0xa7: {  	[sflag:s15] =	ssyncset.done $0x0  }
0xa8: {  	[sflag:s15] =	ssyncadd.s32 $0xFFFFF000  }
0xa9: {  	_ =	swait.ge [sflag:s15], $0x1000  }
0xaa: {  	[sflag:s15] =	ssyncset.done $0x0  }
0xab: {  	[sflag:s15] =	ssyncadd.s32 $0xFFFFF000  }
0xac: {  	_ =	swait.ge [sflag:s15], $0x1000  }
0xad: {  	[sflag:s15] =	ssyncset.done $0x0  }
0xae: {  	[sflag:s15] =	ssyncadd.s32 $0xFFFFF000  }
0xaf: {  	_ =	swait.ge [sflag:s15], $0x1000  }
0xb0: {  	[sflag:s15] =	ssyncset.done $0x0  }
0xb1: {  	[sflag:s15] =	ssyncadd.s32 $0xFFFFF000  }
0xb2: {  	_ =	swait.ge [sflag:s15], $0x1000  }
0xb3: {  	[sflag:s15] =	ssyncset.done $0x0  }
0xb4: {  	[sflag:s15] =	ssyncadd.s32 $0xFFFFF000  }
0xb5: {  	_ =	swait.ge [sflag:s15], $0x1000  }
0xb6: {  	[sflag:s15] =	ssyncset.done $0x0  }
0xb7: {  	[sflag:s15] =	ssyncadd.s32 $0xFFFFF000  }
0xb8: {  	_ =	swait.ge [sflag:s15], $0x1000  }
0xb9: {  	[sflag:s15] =	ssyncset.done $0x0  }
0xba: {  	[sflag:s15] =	ssyncadd.s32 $0xFFFFF000  }
0xbb: {  	_ =	swait.ge [sflag:s15], $0x1000  }
0xbc: {  	[sflag:s15] =	ssyncset.done $0x0  }
0xbd: {  	[sflag:s15] =	ssyncadd.s32 $0xFFFFF000  }
0xbe: {  	_ =	swait.ge [sflag:s15], $0x1000  }
0xbf: {  	[sflag:s15] =	ssyncset.done $0x0  }
0xc0: {  	[sflag:s15] =	ssyncadd.s32 $0xFFFFF000  }
0xc1: {  	s26 =	sadd.s32 $0x1, s26;
	_ =	swait.ge [sflag:s15], $0x1000  }
0xc2: {  	p0 =	sne.s32 s26, s8;
	[sflag:s15] =	ssyncset.done $0x0  }
.Ltmp1:
0xc3: {  	s31 =	sadd.s32 s28, s9;
	[sflag:s15] =	ssyncadd.s32 $0xFFFFF000;
	(pc) =	sbr.rel @p0 .LBB2_1-.Ltmp1, $4  }
0xc4: {  	[hbm4b:s31+s3] =	stream.linear.scatter [tilespmem:s16], [sflag:$0x2], $0xA000, $0x38;
	[tilespmem:$0xDA00] =	vst v63  }
0xc5: {  	_ =	swait.ge [sflag:s10], $0xA000  }
0xc6: {  	[sflag:s10] =	ssyncset.done $0x0  }
0xc7: {  	[sflag:s10] =	ssyncadd.s32 $0xFFFF6000  }
0xc8: {  	_ =	sfence.sel $0x180000  }
0xc9: {  	[bflag:$0x0] =	sbarrier.arrive $0xFFFF  }
0xca: {  	_ =	strace $0x90000047  }
0xcb: {  	s0 =	stileid.u32;
	[bflag:$0x2] =	sbarrier.arrive $0xFFFF  }
0xcc: {  	p0 =	sne.s32 s0, $0x0;
	s0 =	rddreg [dreg:$0x4]  }
0xcd: {  	s0 =	sadd.s32 @!p0 $0x100000, s0  }
0xce: {  	[sflag:s0] =	ssyncadd.tile.s32 @!p0 $0x1;
	_ =	shalt  }
.Lfunc_end2:
_tile_overlayer_lowered:
.L_overlay_start_2:
0xcf: {  	(tag) =	ssettag $0x2  }
0xd0: {  	s0 =	rddreg [dreg:$0x0];
	s2 =	stileid.u32  }
0xd1: {  	s1 =	rddreg [dreg:$0x1];
	p0 =	sne.s32 s2, $0x0  }
0xd2: {  	s3 =	rddreg [dreg:$0x2];
	[bflag:$0x3] =	sbarrier.arrive $0xFFFF;
	s2 =	simm.s32 @!p0 $0x1C02  }
0xd3: {  	[timem:s3], [sflag:s2] =	dma.local @!p0 [hbm:s0], s1  }
0xd4: {  	s0 =	simm.s32 @!p0 $0x2  }
0xd5: {  	_ =	swait.ge @!p0 [sflag:s0], s1  }
0xd6: {  	s1 =	ssub.s32 @!p0 $0x0, s1;
	[sflag:s0] =	ssyncset.done @!p0 $0x0  }
0xd7: {  	[sflag:s0] =	ssyncadd.s32 @!p0 s1  }
0xd8: {  	[bflag:$0x3] =	sbarrier.arrive $0xFFFF  }
0xd9: {  	_ =	shalt  }

</sc_bundles>
